<compile_context>
chip_gen: v7x
topology: tpu7x:2x2x1
jax: 0.10.2.dev20260603
libtpu: 0.0.44.dev20260713+nightly
codegen_flags: <defaults>
</compile_context>

<pallas_src>
import functools

import jax
import jax.numpy as jnp
from jax import lax
from jax.experimental import pallas as pl
from jax.experimental.pallas import tpu as pltpu
from jax.experimental.pallas import tpu_sc as plsc

EMB = 1024
BATCH = 4
SEQ = 4096
NUM_SEG = 3
NUM_ROWS = BATCH * SEQ
NC = 2
NS = 16
NW = NC * NS
RPW = NUM_ROWS // NW
GRP = 16
NG = RPW // GRP
LAG = 16

_mesh = plsc.VectorSubcoreMesh(core_axis_name="c", subcore_axis_name="s")


@functools.partial(
    pl.kernel,
    mesh=_mesh,
    out_type=jax.ShapeDtypeStruct((NUM_ROWS, EMB), jnp.float32),
    scratch_types=[
        pltpu.VMEM((RPW,), jnp.int32),
        pltpu.VMEM((NUM_SEG, EMB), jnp.float32),
        pltpu.SemaphoreType.DMA,
        pltpu.SemaphoreType.DMA,
    ],
)
def _seg_gather(seg_hbm, table_hbm, out_hbm, idx_v, table_v, sem, ssem):
    wid = lax.axis_index("s") * NC + lax.axis_index("c")
    base = wid * RPW
    b = wid // (SEQ // RPW)
    col = (wid % (SEQ // RPW)) * RPW

    pltpu.async_copy(seg_hbm.at[b].at[pl.ds(col, RPW)], idx_v, ssem)
    pltpu.async_copy(table_hbm, table_v, ssem)
    pltpu.make_async_copy(seg_hbm.at[b].at[pl.ds(col, RPW)], idx_v, ssem).wait()
    pltpu.make_async_copy(table_hbm, table_v, ssem).wait()

    def issue_group(g):
        v = idx_v[pl.ds(g * GRP, GRP)]
        for j in range(GRP):
            pltpu.async_copy(table_v.at[v[j]], out_hbm.at[base + g * GRP + j],
                             sem)

    def wait_group(_g, _):
        pltpu.make_async_copy(out_hbm.at[pl.ds(base, GRP)],
                              out_hbm.at[pl.ds(base, GRP)], sem).wait()
        return 0

    def step(g, _):
        issue_group(g)
        return lax.cond(g >= LAG, lambda: wait_group(g, 0), lambda: 0)

    lax.fori_loop(0, NG, step, 0, unroll=False)
    lax.fori_loop(0, LAG, wait_group, 0, unroll=False)


def kernel(unused, seg, table):
    del unused
    out = _seg_gather(seg, table)
    return out.reshape(BATCH, SEQ, EMB)

# --- scband reference (transcript-rebuilt; emitter-appended) ---
"""Pipeline reference for scband-seg-embedding-76811195122434 (READ-ONLY COPY).

The authoritative reference and input builder live on the scoring server;
editing this copy changes nothing except your own understanding.
"""

import jax, jax.numpy as jnp
import numpy as np

EMB_SIZE = 1024
BATCH = 4
SEQ = 4096
NUM_SEG = 3

def setup_inputs(seed: int = 0) -> dict:
    key = jax.random.key(seed)
    k_seg, k_tab = jax.random.split(key)
    unused = jnp.zeros((BATCH, SEQ), dtype=jnp.int64 if jax.config.read('jax_enable_x64') else jnp.int32)
    seg = jax.random.randint(k_seg, (BATCH, SEQ), 0, NUM_SEG, dtype=jnp.int32)
    table = jax.random.normal(k_tab, (NUM_SEG, EMB_SIZE), dtype=jnp.float32)
    return {"unused": unused, "seg": seg, "table": table}

def reference(unused, seg, table):
    # SegEmbedding.forward: ignores first arg, returns embedding lookup
    seg_emb = jnp.take(table, seg, axis=0)  # [B, S, emb_size]
    return seg_emb

if __name__ == "__main__":
    import jax
    _d = setup_inputs()
    print(jax.jit(kernel)(*tuple(_d.values())))

</pallas_src>

<mosaic_0001>
#map = affine_map<(d0, d1) -> (0, 0)>
module attributes {stable_mosaic.version = 14 : i64} {
  func.func @_seg_gather(%arg0: i32, %arg1: i32, %arg2: memref<4x4096xi32, #tpu.memory_space<hbm>>, %arg3: memref<3x1024xf32, #tpu.memory_space<hbm>>, %arg4: memref<16384x1024xf32, #tpu.memory_space<hbm>>, %arg5: memref<512xi32, #tpu.memory_space<vmem>>, %arg6: memref<3x1024xf32, #tpu.memory_space<vmem>>, %arg7: memref<!tpu.dma_semaphore, #tpu.memory_space<semaphore_mem>>, %arg8: memref<!tpu.dma_semaphore, #tpu.memory_space<semaphore_mem>>) attributes {dimension_semantics = [#tpu.dimension_semantics<core_parallel>, #tpu.dimension_semantics<subcore_parallel>], iteration_bounds = array<i64: 2, 16>, scalar_prefetch = 0 : i64, scratch_operands = 4 : i64, tpu.core_type = #tpu.core_type<sc_vector_subcore>, window_params = [{transform_indices = #map}, {transform_indices = #map}, {transform_indices = #map}]} {
    %mul3A = arith.constant 2 : i32
    %mul3A_0 = arith.muli %arg1, %mul3A : i32
    %add3A = arith.addi %mul3A_0, %arg0 : i32
    %mul3A_1 = arith.constant 512 : i32
    %mul3A_2 = arith.muli %add3A, %mul3A_1 : i32
    %jit3A = arith.constant 8 : i32
    %div3A = arith.divsi %add3A, %jit3A : i32
    %sign3A = arith.constant 0 : i32
    %sign3A_3 = arith.cmpi sgt, %add3A, %sign3A : i32
    %sign3A_4 = arith.extui %sign3A_3 : i1 to i32
    %sign3A_5 = arith.constant 0 : i32
    %sign3A_6 = arith.cmpi slt, %add3A, %sign3A_5 : i32
    %sign3A_7 = arith.extui %sign3A_6 : i1 to i32
    %sign3A_8 = arith.subi %sign3A_4, %sign3A_7 : i32
    %sign3A_9 = arith.constant 0 : i32
    %sign3A_10 = arith.cmpi sgt, %jit3A, %sign3A_9 : i32
    %sign3A_11 = arith.extui %sign3A_10 : i1 to i32
    %sign3A_12 = arith.constant 0 : i32
    %sign3A_13 = arith.cmpi slt, %jit3A, %sign3A_12 : i32
    %sign3A_14 = arith.extui %sign3A_13 : i1 to i32
    %sign3A_15 = arith.subi %sign3A_11, %sign3A_14 : i32
    %ne3A = arith.cmpi ne, %sign3A_8, %sign3A_15 : i32
    %rem3A = arith.remsi %add3A, %jit3A : i32
    %ne3A_16 = arith.constant 0 : i32
    %ne3A_17 = arith.cmpi ne, %rem3A, %ne3A_16 : i32
    %and3A = arith.andi %ne3A, %ne3A_17 : i1
    %sub3A = arith.constant 1 : i32
    %sub3A_18 = arith.subi %div3A, %sub3A : i32
    %select_n3A = arith.select %and3A, %sub3A_18, %div3A : i32
    %jit3A_19 = arith.constant 8 : i32
    %eq3A = arith.constant 0 : i32
    %eq3A_20 = arith.cmpi eq, %jit3A_19, %eq3A : i32
    %jit3A_21 = arith.constant 1 : i32
    %select_n3A_22 = arith.select %eq3A_20, %jit3A_21, %jit3A_19 : i32
    %rem3A_23 = arith.remsi %add3A, %select_n3A_22 : i32
    %ne3A_24 = arith.constant 0 : i32
    %ne3A_25 = arith.cmpi ne, %rem3A_23, %ne3A_24 : i32
    %lt3A = arith.constant 0 : i32
    %lt3A_26 = arith.cmpi slt, %rem3A_23, %lt3A : i32
    %lt3A_27 = arith.constant 0 : i32
    %lt3A_28 = arith.cmpi slt, %select_n3A_22, %lt3A_27 : i32
    %ne3A_29 = arith.xori %lt3A_26, %lt3A_28 : i1
    %and3A_30 = arith.andi %ne3A_29, %ne3A_25 : i1
    %add3A_31 = arith.addi %rem3A_23, %select_n3A_22 : i32
    %select_n3A_32 = arith.select %and3A_30, %add3A_31, %rem3A_23 : i32
    %mul3A_33 = arith.constant 512 : i32
    %mul3A_34 = arith.muli %select_n3A_32, %mul3A_33 : i32
    %dma_start3A = arith.constant 0 : i32
    %dma_start3A_35 = tpu.memref_slice %arg2[%select_n3A, %dma_start3A] : memref<4x4096xi32, #tpu.memory_space<hbm>> -> memref<1x4096xi32, #tpu.memory_space<hbm>>
    %dma_start3A_36 = tpu.memref_squeeze %dma_start3A_35 : memref<1x4096xi32, #tpu.memory_space<hbm>> -> memref<4096xi32, #tpu.memory_space<hbm>>
    %dma_start3A_37 = tpu.memref_slice %dma_start3A_36[%mul3A_34] : memref<4096xi32, #tpu.memory_space<hbm>> -> memref<512xi32, #tpu.memory_space<hbm>>
    %dma_start3A_38 = arith.constant 0 : i32
    %dma_start3A_39 = tpu.memref_slice %arg2[%select_n3A, %dma_start3A_38] : memref<4x4096xi32, #tpu.memory_space<hbm>> -> memref<1x4096xi32, #tpu.memory_space<hbm>>
    %dma_start3A_40 = tpu.memref_squeeze %dma_start3A_39 : memref<1x4096xi32, #tpu.memory_space<hbm>> -> memref<4096xi32, #tpu.memory_space<hbm>>
    %dma_start3A_41 = tpu.memref_slice %dma_start3A_40[%mul3A_34] : memref<4096xi32, #tpu.memory_space<hbm>> -> memref<512xi32, #tpu.memory_space<hbm>>
    tpu.enqueue_dma source(%dma_start3A_41 : memref<512xi32, #tpu.memory_space<hbm>>) target(%arg5 : memref<512xi32, #tpu.memory_space<vmem>>) target_semaphore(%arg8 : memref<!tpu.dma_semaphore, #tpu.memory_space<semaphore_mem>>)
    tpu.enqueue_dma source(%arg3 : memref<3x1024xf32, #tpu.memory_space<hbm>>) target(%arg6 : memref<3x1024xf32, #tpu.memory_space<vmem>>) target_semaphore(%arg8 : memref<!tpu.dma_semaphore, #tpu.memory_space<semaphore_mem>>)
    %dma_wait3A = arith.constant 0 : i32
    %dma_wait3A_42 = tpu.memref_slice %arg2[%select_n3A, %dma_wait3A] : memref<4x4096xi32, #tpu.memory_space<hbm>> -> memref<1x4096xi32, #tpu.memory_space<hbm>>
    %dma_wait3A_43 = tpu.memref_squeeze %dma_wait3A_42 : memref<1x4096xi32, #tpu.memory_space<hbm>> -> memref<4096xi32, #tpu.memory_space<hbm>>
    %dma_wait3A_44 = tpu.memref_slice %dma_wait3A_43[%mul3A_34] : memref<4096xi32, #tpu.memory_space<hbm>> -> memref<512xi32, #tpu.memory_space<hbm>>
    %dma_wait3A_45 = arith.constant 0 : i32
    %dma_wait3A_46 = tpu.memref_slice %arg2[%select_n3A, %dma_wait3A_45] : memref<4x4096xi32, #tpu.memory_space<hbm>> -> memref<1x4096xi32, #tpu.memory_space<hbm>>
    %dma_wait3A_47 = tpu.memref_squeeze %dma_wait3A_46 : memref<1x4096xi32, #tpu.memory_space<hbm>> -> memref<4096xi32, #tpu.memory_space<hbm>>
    %dma_wait3A_48 = tpu.memref_slice %dma_wait3A_47[%mul3A_34] : memref<4096xi32, #tpu.memory_space<hbm>> -> memref<512xi32, #tpu.memory_space<hbm>>
    tpu.wait_dma2 semaphore(%arg8 : memref<!tpu.dma_semaphore, #tpu.memory_space<semaphore_mem>>) src(%dma_wait3A_48 : memref<512xi32, #tpu.memory_space<hbm>>) dst(%arg5 : memref<512xi32, #tpu.memory_space<vmem>>)
    tpu.wait_dma2 semaphore(%arg8 : memref<!tpu.dma_semaphore, #tpu.memory_space<semaphore_mem>>) src(%arg3 : memref<3x1024xf32, #tpu.memory_space<hbm>>) dst(%arg6 : memref<3x1024xf32, #tpu.memory_space<vmem>>)
    %scan3A = arith.constant 0 : i32
    %scan3A_49 = arith.constant 0 : i32
    %scan3A_50 = arith.constant 32 : i32
    %scan3A_51 = arith.addi %scan3A_49, %scan3A_50 : i32
    %scan3A_52 = arith.constant 1 : i32
    %scan3A_53 = scf.for %scan3A_62 = %scan3A_49 to %scan3A_51 step %scan3A_52 iter_args(%scan3A_63 = %scan3A) -> (i32)  : i32 {
      %mul3A_64 = arith.constant 16 : i32
      %mul3A_65 = arith.muli %scan3A_62, %mul3A_64 : i32
      %get3A = arith.index_cast %mul3A_65 : i32 to index
      %get3A_66 = tpu.vector_load %arg5[%get3A] {strides = array<i32>} : memref<512xi32, #tpu.memory_space<vmem>>, vector<16xi32>,
      %get3A_67 = vector.shape_cast %get3A_66 : vector<16xi32> to vector<16xi32>
      %slice3A = vector.extract_strided_slice %get3A_67 {offsets = [0], sizes = [1], strides = [1]} : vector<16xi32> to vector<1xi32>
      %squeeze3A = vector.extract %slice3A[0] : i32 from vector<1xi32>
      %mul3A_68 = arith.constant 16 : i32
      %mul3A_69 = arith.muli %scan3A_62, %mul3A_68 : i32
      %add3A_70 = arith.addi %mul3A_2, %mul3A_69 : i32
      %add3A_71 = arith.constant 0 : i32
      %add3A_72 = arith.addi %add3A_70, %add3A_71 : i32
      %dma_start3A_73 = arith.constant 0 : i32
      %dma_start3A_74 = tpu.memref_slice %arg6[%squeeze3A, %dma_start3A_73] : memref<3x1024xf32, #tpu.memory_space<vmem>> -> memref<1x1024xf32, #tpu.memory_space<vmem>>
      %dma_start3A_75 = tpu.memref_squeeze %dma_start3A_74 : memref<1x1024xf32, #tpu.memory_space<vmem>> -> memref<1024xf32, #tpu.memory_space<vmem>>
      %dma_start3A_76 = arith.constant 0 : i32
      %dma_start3A_77 = tpu.memref_slice %arg4[%add3A_72, %dma_start3A_76] : memref<16384x1024xf32, #tpu.memory_space<hbm>> -> memref<1x1024xf32, #tpu.memory_space<hbm>>
      %dma_start3A_78 = tpu.memref_squeeze %dma_start3A_77 : memref<1x1024xf32, #tpu.memory_space<hbm>> -> memref<1024xf32, #tpu.memory_space<hbm>>
      %dma_start3A_79 = arith.constant 0 : i32
      %dma_start3A_80 = tpu.memref_slice %arg4[%add3A_72, %dma_start3A_79] : memref<16384x1024xf32, #tpu.memory_space<hbm>> -> memref<1x1024xf32, #tpu.memory_space<hbm>>
      %dma_start3A_81 = tpu.memref_squeeze %dma_start3A_80 : memref<1x1024xf32, #tpu.memory_space<hbm>> -> memref<1024xf32, #tpu.memory_space<hbm>>
      %dma_start3A_82 = arith.constant 0 : i32
      %dma_start3A_83 = tpu.memref_slice %arg6[%squeeze3A, %dma_start3A_82] : memref<3x1024xf32, #tpu.memory_space<vmem>> -> memref<1x1024xf32, #tpu.memory_space<vmem>>
      %dma_start3A_84 = tpu.memref_squeeze %dma_start3A_83 : memref<1x1024xf32, #tpu.memory_space<vmem>> -> memref<1024xf32, #tpu.memory_space<vmem>>
      tpu.enqueue_dma source(%dma_start3A_84 : memref<1024xf32, #tpu.memory_space<vmem>>) target(%dma_start3A_81 : memref<1024xf32, #tpu.memory_space<hbm>>) target_semaphore(%arg7 : memref<!tpu.dma_semaphore, #tpu.memory_space<semaphore_mem>>)
      %slice3A_85 = vector.extract_strided_slice %get3A_67 {offsets = [1], sizes = [1], strides = [1]} : vector<16xi32> to vector<1xi32>
      %squeeze3A_86 = vector.extract %slice3A_85[0] : i32 from vector<1xi32>
      %mul3A_87 = arith.constant 16 : i32
      %mul3A_88 = arith.muli %scan3A_62, %mul3A_87 : i32
      %add3A_89 = arith.addi %mul3A_2, %mul3A_88 : i32
      %add3A_90 = arith.constant 1 : i32
      %add3A_91 = arith.addi %add3A_89, %add3A_90 : i32
      %dma_start3A_92 = arith.constant 0 : i32
      %dma_start3A_93 = tpu.memref_slice %arg6[%squeeze3A_86, %dma_start3A_92] : memref<3x1024xf32, #tpu.memory_space<vmem>> -> memref<1x1024xf32, #tpu.memory_space<vmem>>
      %dma_start3A_94 = tpu.memref_squeeze %dma_start3A_93 : memref<1x1024xf32, #tpu.memory_space<vmem>> -> memref<1024xf32, #tpu.memory_space<vmem>>
      %dma_start3A_95 = arith.constant 0 : i32
      %dma_start3A_96 = tpu.memref_slice %arg4[%add3A_91, %dma_start3A_95] : memref<16384x1024xf32, #tpu.memory_space<hbm>> -> memref<1x1024xf32, #tpu.memory_space<hbm>>
      %dma_start3A_97 = tpu.memref_squeeze %dma_start3A_96 : memref<1x1024xf32, #tpu.memory_space<hbm>> -> memref<1024xf32, #tpu.memory_space<hbm>>
      %dma_start3A_98 = arith.constant 0 : i32
      %dma_start3A_99 = tpu.memref_slice %arg4[%add3A_91, %dma_start3A_98] : memref<16384x1024xf32, #tpu.memory_space<hbm>> -> memref<1x1024xf32, #tpu.memory_space<hbm>>
      %dma_start3A_100 = tpu.memref_squeeze %dma_start3A_99 : memref<1x1024xf32, #tpu.memory_space<hbm>> -> memref<1024xf32, #tpu.memory_space<hbm>>
      %dma_start3A_101 = arith.constant 0 : i32
      %dma_start3A_102 = tpu.memref_slice %arg6[%squeeze3A_86, %dma_start3A_101] : memref<3x1024xf32, #tpu.memory_space<vmem>> -> memref<1x1024xf32, #tpu.memory_space<vmem>>
      %dma_start3A_103 = tpu.memref_squeeze %dma_start3A_102 : memref<1x1024xf32, #tpu.memory_space<vmem>> -> memref<1024xf32, #tpu.memory_space<vmem>>
      tpu.enqueue_dma source(%dma_start3A_103 : memref<1024xf32, #tpu.memory_space<vmem>>) target(%dma_start3A_100 : memref<1024xf32, #tpu.memory_space<hbm>>) target_semaphore(%arg7 : memref<!tpu.dma_semaphore, #tpu.memory_space<semaphore_mem>>)
      %slice3A_104 = vector.extract_strided_slice %get3A_67 {offsets = [2], sizes = [1], strides = [1]} : vector<16xi32> to vector<1xi32>
      %squeeze3A_105 = vector.extract %slice3A_104[0] : i32 from vector<1xi32>
      %mul3A_106 = arith.constant 16 : i32
      %mul3A_107 = arith.muli %scan3A_62, %mul3A_106 : i32
      %add3A_108 = arith.addi %mul3A_2, %mul3A_107 : i32
      %add3A_109 = arith.constant 2 : i32
      %add3A_110 = arith.addi %add3A_108, %add3A_109 : i32
      %dma_start3A_111 = arith.constant 0 : i32
      %dma_start3A_112 = tpu.memref_slice %arg6[%squeeze3A_105, %dma_start3A_111] : memref<3x1024xf32, #tpu.memory_space<vmem>> -> memref<1x1024xf32, #tpu.memory_space<vmem>>
      %dma_start3A_113 = tpu.memref_squeeze %dma_start3A_112 : memref<1x1024xf32, #tpu.memory_space<vmem>> -> memref<1024xf32, #tpu.memory_space<vmem>>
      %dma_start3A_114 = arith.constant 0 : i32
      %dma_start3A_115 = tpu.memref_slice %arg4[%add3A_110, %dma_start3A_114] : memref<16384x1024xf32, #tpu.memory_space<hbm>> -> memref<1x1024xf32, #tpu.memory_space<hbm>>
      %dma_start3A_116 = tpu.memref_squeeze %dma_start3A_115 : memref<1x1024xf32, #tpu.memory_space<hbm>> -> memref<1024xf32, #tpu.memory_space<hbm>>
      %dma_start3A_117 = arith.constant 0 : i32
      %dma_start3A_118 = tpu.memref_slice %arg4[%add3A_110, %dma_start3A_117] : memref<16384x1024xf32, #tpu.memory_space<hbm>> -> memref<1x1024xf32, #tpu.memory_space<hbm>>
      %dma_start3A_119 = tpu.memref_squeeze %dma_start3A_118 : memref<1x1024xf32, #tpu.memory_space<hbm>> -> memref<1024xf32, #tpu.memory_space<hbm>>
      %dma_start3A_120 = arith.constant 0 : i32
      %dma_start3A_121 = tpu.memref_slice %arg6[%squeeze3A_105, %dma_start3A_120] : memref<3x1024xf32, #tpu.memory_space<vmem>> -> memref<1x1024xf32, #tpu.memory_space<vmem>>
      %dma_start3A_122 = tpu.memref_squeeze %dma_start3A_121 : memref<1x1024xf32, #tpu.memory_space<vmem>> -> memref<1024xf32, #tpu.memory_space<vmem>>
      tpu.enqueue_dma source(%dma_start3A_122 : memref<1024xf32, #tpu.memory_space<vmem>>) target(%dma_start3A_119 : memref<1024xf32, #tpu.memory_space<hbm>>) target_semaphore(%arg7 : memref<!tpu.dma_semaphore, #tpu.memory_space<semaphore_mem>>)
      %slice3A_123 = vector.extract_strided_slice %get3A_67 {offsets = [3], sizes = [1], strides = [1]} : vector<16xi32> to vector<1xi32>
      %squeeze3A_124 = vector.extract %slice3A_123[0] : i32 from vector<1xi32>
      %mul3A_125 = arith.constant 16 : i32
      %mul3A_126 = arith.muli %scan3A_62, %mul3A_125 : i32
      %add3A_127 = arith.addi %mul3A_2, %mul3A_126 : i32
      %add3A_128 = arith.constant 3 : i32
      %add3A_129 = arith.addi %add3A_127, %add3A_128 : i32
      %dma_start3A_130 = arith.constant 0 : i32
      %dma_start3A_131 = tpu.memref_slice %arg6[%squeeze3A_124, %dma_start3A_130] : memref<3x1024xf32, #tpu.memory_space<vmem>> -> memref<1x1024xf32, #tpu.memory_space<vmem>>
      %dma_start3A_132 = tpu.memref_squeeze %dma_start3A_131 : memref<1x1024xf32, #tpu.memory_space<vmem>> -> memref<1024xf32, #tpu.memory_space<vmem>>
      %dma_start3A_133 = arith.constant 0 : i32
      %dma_start3A_134 = tpu.memref_slice %arg4[%add3A_129, %dma_start3A_133] : memref<16384x1024xf32, #tpu.memory_space<hbm>> -> memref<1x1024xf32, #tpu.memory_space<hbm>>
      %dma_start3A_135 = tpu.memref_squeeze %dma_start3A_134 : memref<1x1024xf32, #tpu.memory_space<hbm>> -> memref<1024xf32, #tpu.memory_space<hbm>>
      %dma_start3A_136 = arith.constant 0 : i32
      %dma_start3A_137 = tpu.memref_slice %arg4[%add3A_129, %dma_start3A_136] : memref<16384x1024xf32, #tpu.memory_space<hbm>> -> memref<1x1024xf32, #tpu.memory_space<hbm>>
      %dma_start3A_138 = tpu.memref_squeeze %dma_start3A_137 : memref<1x1024xf32, #tpu.memory_space<hbm>> -> memref<1024xf32, #tpu.memory_space<hbm>>
      %dma_start3A_139 = arith.constant 0 : i32
      %dma_start3A_140 = tpu.memref_slice %arg6[%squeeze3A_124, %dma_start3A_139] : memref<3x1024xf32, #tpu.memory_space<vmem>> -> memref<1x1024xf32, #tpu.memory_space<vmem>>
      %dma_start3A_141 = tpu.memref_squeeze %dma_start3A_140 : memref<1x1024xf32, #tpu.memory_space<vmem>> -> memref<1024xf32, #tpu.memory_space<vmem>>
      tpu.enqueue_dma source(%dma_start3A_141 : memref<1024xf32, #tpu.memory_space<vmem>>) target(%dma_start3A_138 : memref<1024xf32, #tpu.memory_space<hbm>>) target_semaphore(%arg7 : memref<!tpu.dma_semaphore, #tpu.memory_space<semaphore_mem>>)
      %slice3A_142 = vector.extract_strided_slice %get3A_67 {offsets = [4], sizes = [1], strides = [1]} : vector<16xi32> to vector<1xi32>
      %squeeze3A_143 = vector.extract %slice3A_142[0] : i32 from vector<1xi32>
      %mul3A_144 = arith.constant 16 : i32
      %mul3A_145 = arith.muli %scan3A_62, %mul3A_144 : i32
      %add3A_146 = arith.addi %mul3A_2, %mul3A_145 : i32
      %add3A_147 = arith.constant 4 : i32
      %add3A_148 = arith.addi %add3A_146, %add3A_147 : i32
      %dma_start3A_149 = arith.constant 0 : i32
      %dma_start3A_150 = tpu.memref_slice %arg6[%squeeze3A_143, %dma_start3A_149] : memref<3x1024xf32, #tpu.memory_space<vmem>> -> memref<1x1024xf32, #tpu.memory_space<vmem>>
      %dma_start3A_151 = tpu.memref_squeeze %dma_start3A_150 : memref<1x1024xf32, #tpu.memory_space<vmem>> -> memref<1024xf32, #tpu.memory_space<vmem>>
      %dma_start3A_152 = arith.constant 0 : i32
      %dma_start3A_153 = tpu.memref_slice %arg4[%add3A_148, %dma_start3A_152] : memref<16384x1024xf32, #tpu.memory_space<hbm>> -> memref<1x1024xf32, #tpu.memory_space<hbm>>
      %dma_start3A_154 = tpu.memref_squeeze %dma_start3A_153 : memref<1x1024xf32, #tpu.memory_space<hbm>> -> memref<1024xf32, #tpu.memory_space<hbm>>
      %dma_start3A_155 = arith.constant 0 : i32
      %dma_start3A_156 = tpu.memref_slice %arg4[%add3A_148, %dma_start3A_155] : memref<16384x1024xf32, #tpu.memory_space<hbm>> -> memref<1x1024xf32, #tpu.memory_space<hbm>>
      %dma_start3A_157 = tpu.memref_squeeze %dma_start3A_156 : memref<1x1024xf32, #tpu.memory_space<hbm>> -> memref<1024xf32, #tpu.memory_space<hbm>>
      %dma_start3A_158 = arith.constant 0 : i32
      %dma_start3A_159 = tpu.memref_slice %arg6[%squeeze3A_143, %dma_start3A_158] : memref<3x1024xf32, #tpu.memory_space<vmem>> -> memref<1x1024xf32, #tpu.memory_space<vmem>>
      %dma_start3A_160 = tpu.memref_squeeze %dma_start3A_159 : memref<1x1024xf32, #tpu.memory_space<vmem>> -> memref<1024xf32, #tpu.memory_space<vmem>>
      tpu.enqueue_dma source(%dma_start3A_160 : memref<1024xf32, #tpu.memory_space<vmem>>) target(%dma_start3A_157 : memref<1024xf32, #tpu.memory_space<hbm>>) target_semaphore(%arg7 : memref<!tpu.dma_semaphore, #tpu.memory_space<semaphore_mem>>)
      %slice3A_161 = vector.extract_strided_slice %get3A_67 {offsets = [5], sizes = [1], strides = [1]} : vector<16xi32> to vector<1xi32>
      %squeeze3A_162 = vector.extract %slice3A_161[0] : i32 from vector<1xi32>
      %mul3A_163 = arith.constant 16 : i32
      %mul3A_164 = arith.muli %scan3A_62, %mul3A_163 : i32
      %add3A_165 = arith.addi %mul3A_2, %mul3A_164 : i32
      %add3A_166 = arith.constant 5 : i32
      %add3A_167 = arith.addi %add3A_165, %add3A_166 : i32
      %dma_start3A_168 = arith.constant 0 : i32
      %dma_start3A_169 = tpu.memref_slice %arg6[%squeeze3A_162, %dma_start3A_168] : memref<3x1024xf32, #tpu.memory_space<vmem>> -> memref<1x1024xf32, #tpu.memory_space<vmem>>
      %dma_start3A_170 = tpu.memref_squeeze %dma_start3A_169 : memref<1x1024xf32, #tpu.memory_space<vmem>> -> memref<1024xf32, #tpu.memory_space<vmem>>
      %dma_start3A_171 = arith.constant 0 : i32
      %dma_start3A_172 = tpu.memref_slice %arg4[%add3A_167, %dma_start3A_171] : memref<16384x1024xf32, #tpu.memory_space<hbm>> -> memref<1x1024xf32, #tpu.memory_space<hbm>>
      %dma_start3A_173 = tpu.memref_squeeze %dma_start3A_172 : memref<1x1024xf32, #tpu.memory_space<hbm>> -> memref<1024xf32, #tpu.memory_space<hbm>>
      %dma_start3A_174 = arith.constant 0 : i32
      %dma_start3A_175 = tpu.memref_slice %arg4[%add3A_167, %dma_start3A_174] : memref<16384x1024xf32, #tpu.memory_space<hbm>> -> memref<1x1024xf32, #tpu.memory_space<hbm>>
      %dma_start3A_176 = tpu.memref_squeeze %dma_start3A_175 : memref<1x1024xf32, #tpu.memory_space<hbm>> -> memref<1024xf32, #tpu.memory_space<hbm>>
      %dma_start3A_177 = arith.constant 0 : i32
      %dma_start3A_178 = tpu.memref_slice %arg6[%squeeze3A_162, %dma_start3A_177] : memref<3x1024xf32, #tpu.memory_space<vmem>> -> memref<1x1024xf32, #tpu.memory_space<vmem>>
      %dma_start3A_179 = tpu.memref_squeeze %dma_start3A_178 : memref<1x1024xf32, #tpu.memory_space<vmem>> -> memref<1024xf32, #tpu.memory_space<vmem>>
      tpu.enqueue_dma source(%dma_start3A_179 : memref<1024xf32, #tpu.memory_space<vmem>>) target(%dma_start3A_176 : memref<1024xf32, #tpu.memory_space<hbm>>) target_semaphore(%arg7 : memref<!tpu.dma_semaphore, #tpu.memory_space<semaphore_mem>>)
      %slice3A_180 = vector.extract_strided_slice %get3A_67 {offsets = [6], sizes = [1], strides = [1]} : vector<16xi32> to vector<1xi32>
      %squeeze3A_181 = vector.extract %slice3A_180[0] : i32 from vector<1xi32>
      %mul3A_182 = arith.constant 16 : i32
      %mul3A_183 = arith.muli %scan3A_62, %mul3A_182 : i32
      %add3A_184 = arith.addi %mul3A_2, %mul3A_183 : i32
      %add3A_185 = arith.constant 6 : i32
      %add3A_186 = arith.addi %add3A_184, %add3A_185 : i32
      %dma_start3A_187 = arith.constant 0 : i32
      %dma_start3A_188 = tpu.memref_slice %arg6[%squeeze3A_181, %dma_start3A_187] : memref<3x1024xf32, #tpu.memory_space<vmem>> -> memref<1x1024xf32, #tpu.memory_space<vmem>>
      %dma_start3A_189 = tpu.memref_squeeze %dma_start3A_188 : memref<1x1024xf32, #tpu.memory_space<vmem>> -> memref<1024xf32, #tpu.memory_space<vmem>>
      %dma_start3A_190 = arith.constant 0 : i32
      %dma_start3A_191 = tpu.memref_slice %arg4[%add3A_186, %dma_start3A_190] : memref<16384x1024xf32, #tpu.memory_space<hbm>> -> memref<1x1024xf32, #tpu.memory_space<hbm>>
      %dma_start3A_192 = tpu.memref_squeeze %dma_start3A_191 : memref<1x1024xf32, #tpu.memory_space<hbm>> -> memref<1024xf32, #tpu.memory_space<hbm>>
      %dma_start3A_193 = arith.constant 0 : i32
      %dma_start3A_194 = tpu.memref_slice %arg4[%add3A_186, %dma_start3A_193] : memref<16384x1024xf32, #tpu.memory_space<hbm>> -> memref<1x1024xf32, #tpu.memory_space<hbm>>
      %dma_start3A_195 = tpu.memref_squeeze %dma_start3A_194 : memref<1x1024xf32, #tpu.memory_space<hbm>> -> memref<1024xf32, #tpu.memory_space<hbm>>
      %dma_start3A_196 = arith.constant 0 : i32
      %dma_start3A_197 = tpu.memref_slice %arg6[%squeeze3A_181, %dma_start3A_196] : memref<3x1024xf32, #tpu.memory_space<vmem>> -> memref<1x1024xf32, #tpu.memory_space<vmem>>
      %dma_start3A_198 = tpu.memref_squeeze %dma_start3A_197 : memref<1x1024xf32, #tpu.memory_space<vmem>> -> memref<1024xf32, #tpu.memory_space<vmem>>
      tpu.enqueue_dma source(%dma_start3A_198 : memref<1024xf32, #tpu.memory_space<vmem>>) target(%dma_start3A_195 : memref<1024xf32, #tpu.memory_space<hbm>>) target_semaphore(%arg7 : memref<!tpu.dma_semaphore, #tpu.memory_space<semaphore_mem>>)
      %slice3A_199 = vector.extract_strided_slice %get3A_67 {offsets = [7], sizes = [1], strides = [1]} : vector<16xi32> to vector<1xi32>
      %squeeze3A_200 = vector.extract %slice3A_199[0] : i32 from vector<1xi32>
      %mul3A_201 = arith.constant 16 : i32
      %mul3A_202 = arith.muli %scan3A_62, %mul3A_201 : i32
      %add3A_203 = arith.addi %mul3A_2, %mul3A_202 : i32
      %add3A_204 = arith.constant 7 : i32
      %add3A_205 = arith.addi %add3A_203, %add3A_204 : i32
      %dma_start3A_206 = arith.constant 0 : i32
      %dma_start3A_207 = tpu.memref_slice %arg6[%squeeze3A_200, %dma_start3A_206] : memref<3x1024xf32, #tpu.memory_space<vmem>> -> memref<1x1024xf32, #tpu.memory_space<vmem>>
      %dma_start3A_208 = tpu.memref_squeeze %dma_start3A_207 : memref<1x1024xf32, #tpu.memory_space<vmem>> -> memref<1024xf32, #tpu.memory_space<vmem>>
      %dma_start3A_209 = arith.constant 0 : i32
      %dma_start3A_210 = tpu.memref_slice %arg4[%add3A_205, %dma_start3A_209] : memref<16384x1024xf32, #tpu.memory_space<hbm>> -> memref<1x1024xf32, #tpu.memory_space<hbm>>
      %dma_start3A_211 = tpu.memref_squeeze %dma_start3A_210 : memref<1x1024xf32, #tpu.memory_space<hbm>> -> memref<1024xf32, #tpu.memory_space<hbm>>
      %dma_start3A_212 = arith.constant 0 : i32
      %dma_start3A_213 = tpu.memref_slice %arg4[%add3A_205, %dma_start3A_212] : memref<16384x1024xf32, #tpu.memory_space<hbm>> -> memref<1x1024xf32, #tpu.memory_space<hbm>>
      %dma_start3A_214 = tpu.memref_squeeze %dma_start3A_213 : memref<1x1024xf32, #tpu.memory_space<hbm>> -> memref<1024xf32, #tpu.memory_space<hbm>>
      %dma_start3A_215 = arith.constant 0 : i32
      %dma_start3A_216 = tpu.memref_slice %arg6[%squeeze3A_200, %dma_start3A_215] : memref<3x1024xf32, #tpu.memory_space<vmem>> -> memref<1x1024xf32, #tpu.memory_space<vmem>>
      %dma_start3A_217 = tpu.memref_squeeze %dma_start3A_216 : memref<1x1024xf32, #tpu.memory_space<vmem>> -> memref<1024xf32, #tpu.memory_space<vmem>>
      tpu.enqueue_dma source(%dma_start3A_217 : memref<1024xf32, #tpu.memory_space<vmem>>) target(%dma_start3A_214 : memref<1024xf32, #tpu.memory_space<hbm>>) target_semaphore(%arg7 : memref<!tpu.dma_semaphore, #tpu.memory_space<semaphore_mem>>)
      %slice3A_218 = vector.extract_strided_slice %get3A_67 {offsets = [8], sizes = [1], strides = [1]} : vector<16xi32> to vector<1xi32>
      %squeeze3A_219 = vector.extract %slice3A_218[0] : i32 from vector<1xi32>
      %mul3A_220 = arith.constant 16 : i32
      %mul3A_221 = arith.muli %scan3A_62, %mul3A_220 : i32
      %add3A_222 = arith.addi %mul3A_2, %mul3A_221 : i32
      %add3A_223 = arith.constant 8 : i32
      %add3A_224 = arith.addi %add3A_222, %add3A_223 : i32
      %dma_start3A_225 = arith.constant 0 : i32
      %dma_start3A_226 = tpu.memref_slice %arg6[%squeeze3A_219, %dma_start3A_225] : memref<3x1024xf32, #tpu.memory_space<vmem>> -> memref<1x1024xf32, #tpu.memory_space<vmem>>
      %dma_start3A_227 = tpu.memref_squeeze %dma_start3A_226 : memref<1x1024xf32, #tpu.memory_space<vmem>> -> memref<1024xf32, #tpu.memory_space<vmem>>
      %dma_start3A_228 = arith.constant 0 : i32
      %dma_start3A_229 = tpu.memref_slice %arg4[%add3A_224, %dma_start3A_228] : memref<16384x1024xf32, #tpu.memory_space<hbm>> -> memref<1x1024xf32, #tpu.memory_space<hbm>>
      %dma_start3A_230 = tpu.memref_squeeze %dma_start3A_229 : memref<1x1024xf32, #tpu.memory_space<hbm>> -> memref<1024xf32, #tpu.memory_space<hbm>>
      %dma_start3A_231 = arith.constant 0 : i32
      %dma_start3A_232 = tpu.memref_slice %arg4[%add3A_224, %dma_start3A_231] : memref<16384x1024xf32, #tpu.memory_space<hbm>> -> memref<1x1024xf32, #tpu.memory_space<hbm>>
      %dma_start3A_233 = tpu.memref_squeeze %dma_start3A_232 : memref<1x1024xf32, #tpu.memory_space<hbm>> -> memref<1024xf32, #tpu.memory_space<hbm>>
      %dma_start3A_234 = arith.constant 0 : i32
      %dma_start3A_235 = tpu.memref_slice %arg6[%squeeze3A_219, %dma_start3A_234] : memref<3x1024xf32, #tpu.memory_space<vmem>> -> memref<1x1024xf32, #tpu.memory_space<vmem>>
      %dma_start3A_236 = tpu.memref_squeeze %dma_start3A_235 : memref<1x1024xf32, #tpu.memory_space<vmem>> -> memref<1024xf32, #tpu.memory_space<vmem>>
      tpu.enqueue_dma source(%dma_start3A_236 : memref<1024xf32, #tpu.memory_space<vmem>>) target(%dma_start3A_233 : memref<1024xf32, #tpu.memory_space<hbm>>) target_semaphore(%arg7 : memref<!tpu.dma_semaphore, #tpu.memory_space<semaphore_mem>>)
      %slice3A_237 = vector.extract_strided_slice %get3A_67 {offsets = [9], sizes = [1], strides = [1]} : vector<16xi32> to vector<1xi32>
      %squeeze3A_238 = vector.extract %slice3A_237[0] : i32 from vector<1xi32>
      %mul3A_239 = arith.constant 16 : i32
      %mul3A_240 = arith.muli %scan3A_62, %mul3A_239 : i32
      %add3A_241 = arith.addi %mul3A_2, %mul3A_240 : i32
      %add3A_242 = arith.constant 9 : i32
      %add3A_243 = arith.addi %add3A_241, %add3A_242 : i32
      %dma_start3A_244 = arith.constant 0 : i32
      %dma_start3A_245 = tpu.memref_slice %arg6[%squeeze3A_238, %dma_start3A_244] : memref<3x1024xf32, #tpu.memory_space<vmem>> -> memref<1x1024xf32, #tpu.memory_space<vmem>>
      %dma_start3A_246 = tpu.memref_squeeze %dma_start3A_245 : memref<1x1024xf32, #tpu.memory_space<vmem>> -> memref<1024xf32, #tpu.memory_space<vmem>>
      %dma_start3A_247 = arith.constant 0 : i32
      %dma_start3A_248 = tpu.memref_slice %arg4[%add3A_243, %dma_start3A_247] : memref<16384x1024xf32, #tpu.memory_space<hbm>> -> memref<1x1024xf32, #tpu.memory_space<hbm>>
      %dma_start3A_249 = tpu.memref_squeeze %dma_start3A_248 : memref<1x1024xf32, #tpu.memory_space<hbm>> -> memref<1024xf32, #tpu.memory_space<hbm>>
      %dma_start3A_250 = arith.constant 0 : i32
      %dma_start3A_251 = tpu.memref_slice %arg4[%add3A_243, %dma_start3A_250] : memref<16384x1024xf32, #tpu.memory_space<hbm>> -> memref<1x1024xf32, #tpu.memory_space<hbm>>
      %dma_start3A_252 = tpu.memref_squeeze %dma_start3A_251 : memref<1x1024xf32, #tpu.memory_space<hbm>> -> memref<1024xf32, #tpu.memory_space<hbm>>
      %dma_start3A_253 = arith.constant 0 : i32
      %dma_start3A_254 = tpu.memref_slice %arg6[%squeeze3A_238, %dma_start3A_253] : memref<3x1024xf32, #tpu.memory_space<vmem>> -> memref<1x1024xf32, #tpu.memory_space<vmem>>
      %dma_start3A_255 = tpu.memref_squeeze %dma_start3A_254 : memref<1x1024xf32, #tpu.memory_space<vmem>> -> memref<1024xf32, #tpu.memory_space<vmem>>
      tpu.enqueue_dma source(%dma_start3A_255 : memref<1024xf32, #tpu.memory_space<vmem>>) target(%dma_start3A_252 : memref<1024xf32, #tpu.memory_space<hbm>>) target_semaphore(%arg7 : memref<!tpu.dma_semaphore, #tpu.memory_space<semaphore_mem>>)
      %slice3A_256 = vector.extract_strided_slice %get3A_67 {offsets = [10], sizes = [1], strides = [1]} : vector<16xi32> to vector<1xi32>
      %squeeze3A_257 = vector.extract %slice3A_256[0] : i32 from vector<1xi32>
      %mul3A_258 = arith.constant 16 : i32
      %mul3A_259 = arith.muli %scan3A_62, %mul3A_258 : i32
      %add3A_260 = arith.addi %mul3A_2, %mul3A_259 : i32
      %add3A_261 = arith.constant 10 : i32
      %add3A_262 = arith.addi %add3A_260, %add3A_261 : i32
      %dma_start3A_263 = arith.constant 0 : i32
      %dma_start3A_264 = tpu.memref_slice %arg6[%squeeze3A_257, %dma_start3A_263] : memref<3x1024xf32, #tpu.memory_space<vmem>> -> memref<1x1024xf32, #tpu.memory_space<vmem>>
      %dma_start3A_265 = tpu.memref_squeeze %dma_start3A_264 : memref<1x1024xf32, #tpu.memory_space<vmem>> -> memref<1024xf32, #tpu.memory_space<vmem>>
      %dma_start3A_266 = arith.constant 0 : i32
      %dma_start3A_267 = tpu.memref_slice %arg4[%add3A_262, %dma_start3A_266] : memref<16384x1024xf32, #tpu.memory_space<hbm>> -> memref<1x1024xf32, #tpu.memory_space<hbm>>
      %dma_start3A_268 = tpu.memref_squeeze %dma_start3A_267 : memref<1x1024xf32, #tpu.memory_space<hbm>> -> memref<1024xf32, #tpu.memory_space<hbm>>
      %dma_start3A_269 = arith.constant 0 : i32
      %dma_start3A_270 = tpu.memref_slice %arg4[%add3A_262, %dma_start3A_269] : memref<16384x1024xf32, #tpu.memory_space<hbm>> -> memref<1x1024xf32, #tpu.memory_space<hbm>>
      %dma_start3A_271 = tpu.memref_squeeze %dma_start3A_270 : memref<1x1024xf32, #tpu.memory_space<hbm>> -> memref<1024xf32, #tpu.memory_space<hbm>>
      %dma_start3A_272 = arith.constant 0 : i32
      %dma_start3A_273 = tpu.memref_slice %arg6[%squeeze3A_257, %dma_start3A_272] : memref<3x1024xf32, #tpu.memory_space<vmem>> -> memref<1x1024xf32, #tpu.memory_space<vmem>>
      %dma_start3A_274 = tpu.memref_squeeze %dma_start3A_273 : memref<1x1024xf32, #tpu.memory_space<vmem>> -> memref<1024xf32, #tpu.memory_space<vmem>>
      tpu.enqueue_dma source(%dma_start3A_274 : memref<1024xf32, #tpu.memory_space<vmem>>) target(%dma_start3A_271 : memref<1024xf32, #tpu.memory_space<hbm>>) target_semaphore(%arg7 : memref<!tpu.dma_semaphore, #tpu.memory_space<semaphore_mem>>)
      %slice3A_275 = vector.extract_strided_slice %get3A_67 {offsets = [11], sizes = [1], strides = [1]} : vector<16xi32> to vector<1xi32>
      %squeeze3A_276 = vector.extract %slice3A_275[0] : i32 from vector<1xi32>
      %mul3A_277 = arith.constant 16 : i32
      %mul3A_278 = arith.muli %scan3A_62, %mul3A_277 : i32
      %add3A_279 = arith.addi %mul3A_2, %mul3A_278 : i32
      %add3A_280 = arith.constant 11 : i32
      %add3A_281 = arith.addi %add3A_279, %add3A_280 : i32
      %dma_start3A_282 = arith.constant 0 : i32
      %dma_start3A_283 = tpu.memref_slice %arg6[%squeeze3A_276, %dma_start3A_282] : memref<3x1024xf32, #tpu.memory_space<vmem>> -> memref<1x1024xf32, #tpu.memory_space<vmem>>
      %dma_start3A_284 = tpu.memref_squeeze %dma_start3A_283 : memref<1x1024xf32, #tpu.memory_space<vmem>> -> memref<1024xf32, #tpu.memory_space<vmem>>
      %dma_start3A_285 = arith.constant 0 : i32
      %dma_start3A_286 = tpu.memref_slice %arg4[%add3A_281, %dma_start3A_285] : memref<16384x1024xf32, #tpu.memory_space<hbm>> -> memref<1x1024xf32, #tpu.memory_space<hbm>>
      %dma_start3A_287 = tpu.memref_squeeze %dma_start3A_286 : memref<1x1024xf32, #tpu.memory_space<hbm>> -> memref<1024xf32, #tpu.memory_space<hbm>>
      %dma_start3A_288 = arith.constant 0 : i32
      %dma_start3A_289 = tpu.memref_slice %arg4[%add3A_281, %dma_start3A_288] : memref<16384x1024xf32, #tpu.memory_space<hbm>> -> memref<1x1024xf32, #tpu.memory_space<hbm>>
      %dma_start3A_290 = tpu.memref_squeeze %dma_start3A_289 : memref<1x1024xf32, #tpu.memory_space<hbm>> -> memref<1024xf32, #tpu.memory_space<hbm>>
      %dma_start3A_291 = arith.constant 0 : i32
      %dma_start3A_292 = tpu.memref_slice %arg6[%squeeze3A_276, %dma_start3A_291] : memref<3x1024xf32, #tpu.memory_space<vmem>> -> memref<1x1024xf32, #tpu.memory_space<vmem>>
      %dma_start3A_293 = tpu.memref_squeeze %dma_start3A_292 : memref<1x1024xf32, #tpu.memory_space<vmem>> -> memref<1024xf32, #tpu.memory_space<vmem>>
      tpu.enqueue_dma source(%dma_start3A_293 : memref<1024xf32, #tpu.memory_space<vmem>>) target(%dma_start3A_290 : memref<1024xf32, #tpu.memory_space<hbm>>) target_semaphore(%arg7 : memref<!tpu.dma_semaphore, #tpu.memory_space<semaphore_mem>>)
      %slice3A_294 = vector.extract_strided_slice %get3A_67 {offsets = [12], sizes = [1], strides = [1]} : vector<16xi32> to vector<1xi32>
      %squeeze3A_295 = vector.extract %slice3A_294[0] : i32 from vector<1xi32>
      %mul3A_296 = arith.constant 16 : i32
      %mul3A_297 = arith.muli %scan3A_62, %mul3A_296 : i32
      %add3A_298 = arith.addi %mul3A_2, %mul3A_297 : i32
      %add3A_299 = arith.constant 12 : i32
      %add3A_300 = arith.addi %add3A_298, %add3A_299 : i32
      %dma_start3A_301 = arith.constant 0 : i32
      %dma_start3A_302 = tpu.memref_slice %arg6[%squeeze3A_295, %dma_start3A_301] : memref<3x1024xf32, #tpu.memory_space<vmem>> -> memref<1x1024xf32, #tpu.memory_space<vmem>>
      %dma_start3A_303 = tpu.memref_squeeze %dma_start3A_302 : memref<1x1024xf32, #tpu.memory_space<vmem>> -> memref<1024xf32, #tpu.memory_space<vmem>>
      %dma_start3A_304 = arith.constant 0 : i32
      %dma_start3A_305 = tpu.memref_slice %arg4[%add3A_300, %dma_start3A_304] : memref<16384x1024xf32, #tpu.memory_space<hbm>> -> memref<1x1024xf32, #tpu.memory_space<hbm>>
      %dma_start3A_306 = tpu.memref_squeeze %dma_start3A_305 : memref<1x1024xf32, #tpu.memory_space<hbm>> -> memref<1024xf32, #tpu.memory_space<hbm>>
      %dma_start3A_307 = arith.constant 0 : i32
      %dma_start3A_308 = tpu.memref_slice %arg4[%add3A_300, %dma_start3A_307] : memref<16384x1024xf32, #tpu.memory_space<hbm>> -> memref<1x1024xf32, #tpu.memory_space<hbm>>
      %dma_start3A_309 = tpu.memref_squeeze %dma_start3A_308 : memref<1x1024xf32, #tpu.memory_space<hbm>> -> memref<1024xf32, #tpu.memory_space<hbm>>
      %dma_start3A_310 = arith.constant 0 : i32
      %dma_start3A_311 = tpu.memref_slice %arg6[%squeeze3A_295, %dma_start3A_310] : memref<3x1024xf32, #tpu.memory_space<vmem>> -> memref<1x1024xf32, #tpu.memory_space<vmem>>
      %dma_start3A_312 = tpu.memref_squeeze %dma_start3A_311 : memref<1x1024xf32, #tpu.memory_space<vmem>> -> memref<1024xf32, #tpu.memory_space<vmem>>
      tpu.enqueue_dma source(%dma_start3A_312 : memref<1024xf32, #tpu.memory_space<vmem>>) target(%dma_start3A_309 : memref<1024xf32, #tpu.memory_space<hbm>>) target_semaphore(%arg7 : memref<!tpu.dma_semaphore, #tpu.memory_space<semaphore_mem>>)
      %slice3A_313 = vector.extract_strided_slice %get3A_67 {offsets = [13], sizes = [1], strides = [1]} : vector<16xi32> to vector<1xi32>
      %squeeze3A_314 = vector.extract %slice3A_313[0] : i32 from vector<1xi32>
      %mul3A_315 = arith.constant 16 : i32
      %mul3A_316 = arith.muli %scan3A_62, %mul3A_315 : i32
      %add3A_317 = arith.addi %mul3A_2, %mul3A_316 : i32
      %add3A_318 = arith.constant 13 : i32
      %add3A_319 = arith.addi %add3A_317, %add3A_318 : i32
      %dma_start3A_320 = arith.constant 0 : i32
      %dma_start3A_321 = tpu.memref_slice %arg6[%squeeze3A_314, %dma_start3A_320] : memref<3x1024xf32, #tpu.memory_space<vmem>> -> memref<1x1024xf32, #tpu.memory_space<vmem>>
      %dma_start3A_322 = tpu.memref_squeeze %dma_start3A_321 : memref<1x1024xf32, #tpu.memory_space<vmem>> -> memref<1024xf32, #tpu.memory_space<vmem>>
      %dma_start3A_323 = arith.constant 0 : i32
      %dma_start3A_324 = tpu.memref_slice %arg4[%add3A_319, %dma_start3A_323] : memref<16384x1024xf32, #tpu.memory_space<hbm>> -> memref<1x1024xf32, #tpu.memory_space<hbm>>
      %dma_start3A_325 = tpu.memref_squeeze %dma_start3A_324 : memref<1x1024xf32, #tpu.memory_space<hbm>> -> memref<1024xf32, #tpu.memory_space<hbm>>
      %dma_start3A_326 = arith.constant 0 : i32
      %dma_start3A_327 = tpu.memref_slice %arg4[%add3A_319, %dma_start3A_326] : memref<16384x1024xf32, #tpu.memory_space<hbm>> -> memref<1x1024xf32, #tpu.memory_space<hbm>>
      %dma_start3A_328 = tpu.memref_squeeze %dma_start3A_327 : memref<1x1024xf32, #tpu.memory_space<hbm>> -> memref<1024xf32, #tpu.memory_space<hbm>>
      %dma_start3A_329 = arith.constant 0 : i32
      %dma_start3A_330 = tpu.memref_slice %arg6[%squeeze3A_314, %dma_start3A_329] : memref<3x1024xf32, #tpu.memory_space<vmem>> -> memref<1x1024xf32, #tpu.memory_space<vmem>>
      %dma_start3A_331 = tpu.memref_squeeze %dma_start3A_330 : memref<1x1024xf32, #tpu.memory_space<vmem>> -> memref<1024xf32, #tpu.memory_space<vmem>>
      tpu.enqueue_dma source(%dma_start3A_331 : memref<1024xf32, #tpu.memory_space<vmem>>) target(%dma_start3A_328 : memref<1024xf32, #tpu.memory_space<hbm>>) target_semaphore(%arg7 : memref<!tpu.dma_semaphore, #tpu.memory_space<semaphore_mem>>)
      %slice3A_332 = vector.extract_strided_slice %get3A_67 {offsets = [14], sizes = [1], strides = [1]} : vector<16xi32> to vector<1xi32>
      %squeeze3A_333 = vector.extract %slice3A_332[0] : i32 from vector<1xi32>
      %mul3A_334 = arith.constant 16 : i32
      %mul3A_335 = arith.muli %scan3A_62, %mul3A_334 : i32
      %add3A_336 = arith.addi %mul3A_2, %mul3A_335 : i32
      %add3A_337 = arith.constant 14 : i32
      %add3A_338 = arith.addi %add3A_336, %add3A_337 : i32
      %dma_start3A_339 = arith.constant 0 : i32
      %dma_start3A_340 = tpu.memref_slice %arg6[%squeeze3A_333, %dma_start3A_339] : memref<3x1024xf32, #tpu.memory_space<vmem>> -> memref<1x1024xf32, #tpu.memory_space<vmem>>
      %dma_start3A_341 = tpu.memref_squeeze %dma_start3A_340 : memref<1x1024xf32, #tpu.memory_space<vmem>> -> memref<1024xf32, #tpu.memory_space<vmem>>
      %dma_start3A_342 = arith.constant 0 : i32
      %dma_start3A_343 = tpu.memref_slice %arg4[%add3A_338, %dma_start3A_342] : memref<16384x1024xf32, #tpu.memory_space<hbm>> -> memref<1x1024xf32, #tpu.memory_space<hbm>>
      %dma_start3A_344 = tpu.memref_squeeze %dma_start3A_343 : memref<1x1024xf32, #tpu.memory_space<hbm>> -> memref<1024xf32, #tpu.memory_space<hbm>>
      %dma_start3A_345 = arith.constant 0 : i32
      %dma_start3A_346 = tpu.memref_slice %arg4[%add3A_338, %dma_start3A_345] : memref<16384x1024xf32, #tpu.memory_space<hbm>> -> memref<1x1024xf32, #tpu.memory_space<hbm>>
      %dma_start3A_347 = tpu.memref_squeeze %dma_start3A_346 : memref<1x1024xf32, #tpu.memory_space<hbm>> -> memref<1024xf32, #tpu.memory_space<hbm>>
      %dma_start3A_348 = arith.constant 0 : i32
      %dma_start3A_349 = tpu.memref_slice %arg6[%squeeze3A_333, %dma_start3A_348] : memref<3x1024xf32, #tpu.memory_space<vmem>> -> memref<1x1024xf32, #tpu.memory_space<vmem>>
      %dma_start3A_350 = tpu.memref_squeeze %dma_start3A_349 : memref<1x1024xf32, #tpu.memory_space<vmem>> -> memref<1024xf32, #tpu.memory_space<vmem>>
      tpu.enqueue_dma source(%dma_start3A_350 : memref<1024xf32, #tpu.memory_space<vmem>>) target(%dma_start3A_347 : memref<1024xf32, #tpu.memory_space<hbm>>) target_semaphore(%arg7 : memref<!tpu.dma_semaphore, #tpu.memory_space<semaphore_mem>>)
      %slice3A_351 = vector.extract_strided_slice %get3A_67 {offsets = [15], sizes = [1], strides = [1]} : vector<16xi32> to vector<1xi32>
      %squeeze3A_352 = vector.extract %slice3A_351[0] : i32 from vector<1xi32>
      %mul3A_353 = arith.constant 16 : i32
      %mul3A_354 = arith.muli %scan3A_62, %mul3A_353 : i32
      %add3A_355 = arith.addi %mul3A_2, %mul3A_354 : i32
      %add3A_356 = arith.constant 15 : i32
      %add3A_357 = arith.addi %add3A_355, %add3A_356 : i32
      %dma_start3A_358 = arith.constant 0 : i32
      %dma_start3A_359 = tpu.memref_slice %arg6[%squeeze3A_352, %dma_start3A_358] : memref<3x1024xf32, #tpu.memory_space<vmem>> -> memref<1x1024xf32, #tpu.memory_space<vmem>>
      %dma_start3A_360 = tpu.memref_squeeze %dma_start3A_359 : memref<1x1024xf32, #tpu.memory_space<vmem>> -> memref<1024xf32, #tpu.memory_space<vmem>>
      %dma_start3A_361 = arith.constant 0 : i32
      %dma_start3A_362 = tpu.memref_slice %arg4[%add3A_357, %dma_start3A_361] : memref<16384x1024xf32, #tpu.memory_space<hbm>> -> memref<1x1024xf32, #tpu.memory_space<hbm>>
      %dma_start3A_363 = tpu.memref_squeeze %dma_start3A_362 : memref<1x1024xf32, #tpu.memory_space<hbm>> -> memref<1024xf32, #tpu.memory_space<hbm>>
      %dma_start3A_364 = arith.constant 0 : i32
      %dma_start3A_365 = tpu.memref_slice %arg4[%add3A_357, %dma_start3A_364] : memref<16384x1024xf32, #tpu.memory_space<hbm>> -> memref<1x1024xf32, #tpu.memory_space<hbm>>
      %dma_start3A_366 = tpu.memref_squeeze %dma_start3A_365 : memref<1x1024xf32, #tpu.memory_space<hbm>> -> memref<1024xf32, #tpu.memory_space<hbm>>
      %dma_start3A_367 = arith.constant 0 : i32
      %dma_start3A_368 = tpu.memref_slice %arg6[%squeeze3A_352, %dma_start3A_367] : memref<3x1024xf32, #tpu.memory_space<vmem>> -> memref<1x1024xf32, #tpu.memory_space<vmem>>
      %dma_start3A_369 = tpu.memref_squeeze %dma_start3A_368 : memref<1x1024xf32, #tpu.memory_space<vmem>> -> memref<1024xf32, #tpu.memory_space<vmem>>
      tpu.enqueue_dma source(%dma_start3A_369 : memref<1024xf32, #tpu.memory_space<vmem>>) target(%dma_start3A_366 : memref<1024xf32, #tpu.memory_space<hbm>>) target_semaphore(%arg7 : memref<!tpu.dma_semaphore, #tpu.memory_space<semaphore_mem>>)
      %ge3A = arith.constant 16 : i32
      %ge3A_370 = arith.cmpi sge, %scan3A_62, %ge3A : i32
      %convert_element_type3A = arith.extui %ge3A_370 : i1 to i32
      %cond3A = arith.constant 0 : i32
      %cond3A_371 = arith.cmpi ne, %convert_element_type3A, %cond3A : i32
      %cond3A_372 = scf.if %cond3A_371 -> (i32) {
        %dma_wait3A_373 = arith.constant 0 : i32
        %dma_wait3A_374 = tpu.memref_slice %arg4[%mul3A_2, %dma_wait3A_373] : memref<16384x1024xf32, #tpu.memory_space<hbm>> -> memref<16x1024xf32, #tpu.memory_space<hbm>>
        %dma_wait3A_375 = arith.constant 0 : i32
        %dma_wait3A_376 = tpu.memref_slice %arg4[%mul3A_2, %dma_wait3A_375] : memref<16384x1024xf32, #tpu.memory_space<hbm>> -> memref<16x1024xf32, #tpu.memory_space<hbm>>
        tpu.wait_dma2 semaphore(%arg7 : memref<!tpu.dma_semaphore, #tpu.memory_space<semaphore_mem>>) src(%dma_wait3A_376 : memref<16x1024xf32, #tpu.memory_space<hbm>>) dst(%dma_wait3A_374 : memref<16x1024xf32, #tpu.memory_space<hbm>>)
        %cond3A_377 = arith.constant 0 : i32
        scf.yield %cond3A_377 : i32
      } else {
        %cond3A_373 = arith.constant 0 : i32
        scf.yield %cond3A_373 : i32
      }
      scf.yield %cond3A_372 : i32
    }
    %scan3A_54 = arith.constant 32 : i32
    %scan3A_55 = arith.constant 0 : i32
    %scan3A_56 = arith.constant 0 : i32
    %scan3A_57 = arith.constant 16 : i32
    %scan3A_58 = arith.addi %scan3A_56, %scan3A_57 : i32
    %scan3A_59 = arith.constant 1 : i32
    %scan3A_60 = scf.for %scan3A_62 = %scan3A_56 to %scan3A_58 step %scan3A_59 iter_args(%scan3A_63 = %scan3A_55) -> (i32)  : i32 {
      %dma_wait3A_64 = arith.constant 0 : i32
      %dma_wait3A_65 = tpu.memref_slice %arg4[%mul3A_2, %dma_wait3A_64] : memref<16384x1024xf32, #tpu.memory_space<hbm>> -> memref<16x1024xf32, #tpu.memory_space<hbm>>
      %dma_wait3A_66 = arith.constant 0 : i32
      %dma_wait3A_67 = tpu.memref_slice %arg4[%mul3A_2, %dma_wait3A_66] : memref<16384x1024xf32, #tpu.memory_space<hbm>> -> memref<16x1024xf32, #tpu.memory_space<hbm>>
      tpu.wait_dma2 semaphore(%arg7 : memref<!tpu.dma_semaphore, #tpu.memory_space<semaphore_mem>>) src(%dma_wait3A_67 : memref<16x1024xf32, #tpu.memory_space<hbm>>) dst(%dma_wait3A_65 : memref<16x1024xf32, #tpu.memory_space<hbm>>)
      %scan3A_68 = arith.constant 0 : i32
      scf.yield %scan3A_68 : i32
    }
    %scan3A_61 = arith.constant 16 : i32
    return
  }
}

</mosaic_0001>

<sc_bundles>
// kernel: kernel.3.cloned.1.call-start
scs
__scs_entry_jumppad:
0x0: {  	(pc) =	sbr.rel $0x88, $3  }
0x1: {  	(tag) =	ssettag $0x0;
	lr =	simm.s32 $0x1  }
0x2: {  	[smem:$0x3F9F] =	sst lr;
	_ =	strace $0xD0000000  }
0x3: {  	_ = 	snop  }
0x4: {  	_ = 	snop  }
0x5: {  	_ = 	snop  }
0x6: {  	_ = 	snop  }
0x7: {  	_ = 	snop  }
__scs_overlays_trampoline_lowered:
0x8: {  	[smem:$0x3FAE] =	sst s0  }
0x9: {  	[smem:$0x3FAF] =	sst s1  }
0xa: {  	[smem:$0x3FB0] =	sst s2  }
0xb: {  	[smem:$0x3FB1] =	sst s3  }
0xc: {  	[smem:$0x3FB2] =	sst s4  }
0xd: {  	[smem:$0x3FB3] =	sst s5  }
0xe: {  	[smem:$0x3FB4] =	sst s6  }
0xf: {  	[smem:$0x3FB5] =	sst s7  }
0x10: {  	[smem:$0x3FB6] =	sst s8  }
0x11: {  	[smem:$0x3FB7] =	sst s9;
	s0 =	simm.s32 @!p0 $0x0  }
0x12: {  	s1 =	sld [smem:$0x3F9D];
	s0 =	simm.s32 @p0 $0x1  }
0x13: {  	[smem:$0x3FB8] =	sst s0;
	s0 =	simm.s32 @!p1 $0x0  }
0x14: {  	s2 =	sld [smem:$0x3F9C];
	s0 =	simm.s32 @p1 $0x1  }
0x15: {  	[smem:$0x3FB9] =	sst s0;
	s0 =	simm.s32 @!p2 $0x0  }
0x16: {  	s3 =	sld [smem:$0x3FDB];
	s0 =	simm.s32 @p2 $0x1  }
0x17: {  	s4 =	simm.s32 $0x1BF5;
	[smem:$0x3FBB] =	sst s0  }
0x18: {  	s0 =	sld [smem:$0x3F9E];
	_ =	swait.ge [sflag:s4], $0x0  }
0x19: {  	s7 =	sld [smem:$0x3F9F]  }
0x1a: {  	s8 =	sadd.s32 $0xFFFFE003, lr  }
0x1b: {  	s9 =	sadd.s32 $0xFFFFFEF7, lr;
	s5 =	simm.s32 $0xFFFFFFFF;
	p2 =	slt.u32 s8, $0xFFFFF086  }
0x1c: {  	p1 =	slt.u32 s9, $0xF7A;
	s5 =	simm.s32 @!p2 $0x0  }
0x1d: {  	s5 =	simm.s32 @p1 $0x1;
	p0 =	seq.s32 s7, s2  }
0x1e: {  	s7 =	smul.u32 @!p0 $0xF7A, s2;
	p2 =	seq.s32 @!p0 s5, $0x0  }
0x1f: {  	s9 =	smul.u32 $0xF7A, s1;
	s8 =	simm.s32 @!p0 $0x1BF5;
	p2 =	por !p2, p0  }
0x20: {  	[sflag:s8] =	ssyncset.s32 @!p0 $0xFFFFF086;
	s6 =	sadd.s32 @!p0 s3, s7;
	s7 =	simm.s32 @!p0 $0x108  }
0x21: {  	s3 =	sadd.s32 s3, s9;
	s6 =	sadd.s32 @!p0 $0x88, s6;
	s7 =	simm.s32 @p2 $0x1082  }
0x22: {  	[simem:s7], [sflag:s8] =	dma.local @!p0 [hbm:s6], $0xF7A  }
0x23: {  	s9 =	sor.u32 $0xD0000000, s2;
	s6 =	simm.s32 $0x108;
	_ =	swait.ge @!p0 [sflag:s8], $0x0  }
0x24: {  	s3 =	sadd.s32 $0x88, s3;
	s6 =	simm.s32 @!p1 $0x1082;
	[sflag:s4] =	ssyncset.s32 $0xFFFFF086  }
0x25: {  	[simem:s6], [sflag:s4] =	dma.local [hbm:s3], $0xF7A  }
0x26: {  	[smem:$0x3F9F] =	sst s1;
	(tag) =	ssettag s2;
	_ =	strace s9  }
0x27: {  	s1 =	sld [smem:$0x3FAF]  }
0x28: {  	s2 =	sld [smem:$0x3FB0]  }
0x29: {  	s4 =	sld [smem:$0x3FB2]  }
0x2a: {  	p0 =	seq.s32 s5, $0x0;
	s5 =	sld [smem:$0x3FB3]  }
0x2b: {  	s6 =	sld [smem:$0x3FB4]  }
0x2c: {  	s7 =	sld [smem:$0x3FB5]  }
0x2d: {  	s3 =	simm.s32 $0x108;
	s8 =	sld [smem:$0x3FB6]  }
0x2e: {  	s3 =	simm.s32 @!p0 $0x1082;
	s9 =	sld [smem:$0x3FB7]  }
0x2f: {  	lr =	sadd.s32 s0, s3;
	s0 =	sld [smem:$0x3FAE]  }
0x30: {  	s3 =	sld [smem:$0x3FB1]  }
0x31: {  	[smem:$0x3FBA] =	sst s10  }
0x32: {  	s10 =	sld [smem:$0x3FB8];
	_ =	sdelay $0x3  }
0x33: {  	p0 =	seq.s32 s10, $0x1;
	s10 =	sld [smem:$0x3FBA];
	_ =	sdelay $0x3  }
0x34: {  	[smem:$0x3FBA] =	sst s10  }
0x35: {  	s10 =	sld [smem:$0x3FB9];
	_ =	sdelay $0x3  }
0x36: {  	p1 =	seq.s32 s10, $0x1;
	s10 =	sld [smem:$0x3FBA];
	_ =	sdelay $0x3  }
0x37: {  	[smem:$0x3FBA] =	sst s10  }
0x38: {  	s10 =	sld [smem:$0x3FBB]  }
0x39: {  	_ = 	snop;
	(pc) =	sbr.ind lr, $3  }
0x3a: {  	_ = 	snop  }
0x3b: {  	_ = 	snop  }
0x3c: {  	p2 =	seq.s32 s10, $0x1;
	s10 =	sld [smem:$0x3FBA]  }
0x3d: {  	_ =	shalt  }
0x3e: {  	_ =	shalt  }
0x3f: {  	_ =	shalt  }
0x40: {  	_ =	shalt  }
0x41: {  	_ =	shalt  }
0x42: {  	_ =	shalt  }
0x43: {  	_ =	shalt  }
0x44: {  	_ =	shalt  }
0x45: {  	_ =	shalt  }
0x46: {  	_ =	shalt  }
0x47: {  	_ =	shalt  }
0x48: {  	_ =	shalt  }
0x49: {  	_ =	shalt  }
0x4a: {  	_ =	shalt  }
0x4b: {  	_ =	shalt  }
0x4c: {  	_ =	shalt  }
0x4d: {  	_ =	shalt  }
0x4e: {  	_ =	shalt  }
0x4f: {  	_ =	shalt  }
0x50: {  	_ =	shalt  }
0x51: {  	_ =	shalt  }
0x52: {  	_ =	shalt  }
0x53: {  	_ =	shalt  }
0x54: {  	_ =	shalt  }
0x55: {  	_ =	shalt  }
0x56: {  	_ =	shalt  }
0x57: {  	_ =	shalt  }
0x58: {  	_ =	shalt  }
0x59: {  	_ =	shalt  }
0x5a: {  	_ =	shalt  }
0x5b: {  	_ =	shalt  }
0x5c: {  	_ =	shalt  }
0x5d: {  	_ =	shalt  }
0x5e: {  	_ =	shalt  }
0x5f: {  	_ =	shalt  }
0x60: {  	_ =	shalt  }
0x61: {  	_ =	shalt  }
0x62: {  	_ =	shalt  }
0x63: {  	_ =	shalt  }
0x64: {  	_ =	shalt  }
0x65: {  	_ =	shalt  }
0x66: {  	_ =	shalt  }
0x67: {  	_ =	shalt  }
0x68: {  	_ =	shalt  }
0x69: {  	_ =	shalt  }
0x6a: {  	_ =	shalt  }
0x6b: {  	_ =	shalt  }
0x6c: {  	_ =	shalt  }
0x6d: {  	_ =	shalt  }
0x6e: {  	_ =	shalt  }
0x6f: {  	_ =	shalt  }
0x70: {  	_ =	shalt  }
0x71: {  	_ =	shalt  }
0x72: {  	_ =	shalt  }
0x73: {  	_ =	shalt  }
0x74: {  	_ =	shalt  }
0x75: {  	_ =	shalt  }
0x76: {  	_ =	shalt  }
0x77: {  	_ =	shalt  }
0x78: {  	_ =	shalt  }
0x79: {  	_ =	shalt  }
0x7a: {  	_ =	shalt  }
0x7b: {  	_ =	shalt  }
0x7c: {  	_ =	shalt  }
0x7d: {  	_ =	shalt  }
0x7e: {  	_ =	shalt  }
0x7f: {  	_ =	shalt  }
0x80: {  	_ =	shalt  }
0x81: {  	_ =	shalt  }
0x82: {  	_ =	shalt  }
0x83: {  	_ =	shalt  }
0x84: {  	_ =	shalt  }
0x85: {  	_ =	shalt  }
0x86: {  	_ =	shalt  }
0x87: {  	_ =	shalt  }
.Lfunc_end0:
.L_simem_size_0:
called_computation_lowered:
.L_overlay_start_0:
0x88: {  	s2 =	sld [smem:$0x3FD9]  }
0x89: {  	s3 =	sld [smem:$0x3FFE];
	_ =	sdelay $0x1  }
0x8a: {  	s1 =	srdreg.scid  }
0x8b: {  	s0 =	sand.u32 $0x1, s1  }
0x8c: {  	s18 =	sshll.u32 s0, $0xA;
	s2 =	sadd.s32 s3, s2  }
0x8d: {  	s2 =	sadd.s32 s2, s18  }
0x8e: {  	[smem:$0x3FC6] =	sst s2  }
0x8f: {  	_ = 	snop  }
0x90: {  	s2 =	sld [smem:$0x3FC9]  }
0x91: {  	s19 =	sld [smem:$0x3FC8]  }
0x92: {  	s4 =	sld [smem:$0x3FD0];
	(tm) =	ssettm $0x1  }
0x93: {  	s5 =	sld [smem:$0x3FFB];
	_ =	sdelay $0x3  }
0x94: {  	_ =	strace s5  }
0x95: {  	s5 =	sld [smem:$0x3FFC];
	_ =	sdelay $0x3  }
0x96: {  	_ =	strace s5  }
0x97: {  	s5 =	sld [smem:$0x3FFD];
	_ =	sdelay $0x3  }
0x98: {  	_ =	strace s5  }
0x99: {  	_ =	strace $0x8FFFFFFF  }
0x9a: {  	s20 =	sld [smem:$0x3FDB];
	_ =	sdelay $0x1  }
0x9b: {  	s6 =	simm.s32 $_scs_section_size  }
0x9c: {  	s7 =	simm.s32 $_size__tile_overlayer_lowered;
	s8 =	simm.s32 $_tile_overlayer_lowered  }
0x9d: {  	s23 =	simm.s32 $0x1BFF;
	s22 =	sshll.u32 s8, $0x1;
	s5 =	sadd.s32 s6, s20  }
0x9e: {  	s9 =	simm.s32 $0x0;
	s21 =	sshll.u32 s7, $0x1;
	s7 =	sadd.s32 s22, s5  }
0x9f: {  	[timem:s9], [sflag:s23] =	dma.local [hbm:s7], s21  }
0xa0: {  	_ =	swait.ge [sflag:s23], s21  }
0xa1: {  	s6 =	ssub.s32 $0x0, s21;
	[sflag:s23] =	ssyncset.done $0x0  }
0xa2: {  	[sflag:s23] =	ssyncadd.s32 s6;
	_ =	sdelay $0x1  }
0xa3: {  	s24 =	simm.s32 $0x1B8B  }
0xa4: {  	_ =	swait.ge [sflag:s24], $0x1  }
0xa5: {  	[sflag:s24] =	ssyncset.done $0x0  }
0xa6: {  	s25 =	simm.s32 $0x1B8E;
	[sflag:s24] =	ssyncadd.s32 $0xFFFFFFFF  }
0xa7: {  	s26 =	simm.s32 $execute0_lowered;
	[smem:$0x3FD2] =	sst s25  }
0xa8: {  	s6 =	sshll.u32 s26, $0x1;
	_ =	strace $0x80000046;
	[dreg:$0x1] =	wrdreg $0xFFFFFFFF  }
0xa9: {  	s28 =	simm.s32 $_size_execute0_lowered;
	s5 =	sadd.s32 s5, s6;
	[dreg:$0x0] =	wrdreg $0x0  }
0xaa: {  	s6 =	sshll.u32 s28, $0x1;
	[dreg:$0x2] =	wrdreg s5  }
0xab: {  	[dreg:$0x3] =	wrdreg s6  }
0xac: {  	[dreg:$0x4] =	wrdreg $0xC0  }
0xad: {  	_ =	task [dreg:s9], $0x5FFFF  }
0xae: {  	[dreg:$0x1] =	wrdreg $0xFFFFFFFF  }
0xaf: {  	[dreg:$0x0] =	wrdreg $0x60  }
0xb0: {  	[dreg:$0x2] =	wrdreg s2  }
0xb1: {  	[dreg:$0x3] =	wrdreg s19  }
0xb2: {  	[dreg:$0x4] =	wrdreg s4  }
0xb3: {  	[dreg:$0x5] =	wrdreg $0x9  }
0xb4: {  	_ =	task.clear_ibuf [dreg:s9], $0x6FFFF;
	_ =	strace $0x90000046  }
0xb5: {  	s29 =	simm.s32 $0x9;
	_ =	strace $0x80000048  }
0xb6: {  	_ =	swait.ge [sflag:s29], $0x1  }
0xb7: {  	[sflag:s29] =	ssyncadd.s32 $0xFFFFFFFF  }
0xb8: {  	_ =	strace $0x90000048  }
0xb9: {  	_ =	sfence  }
0xba: {  	s30 =	sld [smem:$0x0];
	_ =	sdelay $0x2  }
0xbb: {  	s31 =	sshll.u32 s1, $0xD;
	s1 =	sshrl.u32 s1, $0x2  }
0xbc: {  	s3 =	sand.u32 $0x4000, s31;
	s1 =	sadd.s32 s1, s30  }
0xbd: {  	s0 =	sor.u32 s3, s0;
	s1 =	sshll.u32 s1, $0x11  }
0xbe: {  	s0 =	sor.u32 s1, s0  }
0xbf: {  	s0 =	sadd.s32 $0x8F2B, s0  }
0xc0: {  	[sflag:s0] =	ssyncadd.remote.s32 $0x1  }
0xc1: {  	_ =	sfence.sel $0xFFFF  }
0xc2: {  	[dreg:$0x0] =	wrdreg $0xFFFFFFFF;
	(pc) =	sbr.abs _section_cstart, $3  }
0xc3: {  	[dreg:$0x1] =	wrdreg $0xFFFFFFFF  }
0xc4: {  	_ =	task.clear_ibuf [dreg:s9], $0x2FFFF;
	_ =	strace $0x9FFFFFFF  }
0xc5: {  	(tm) =	ssettm $0x7FFFFFFF  }
tec
execute0_lowered:
.L_overlay_start_1:
0x0: {  	(tag) =	ssettag $0x1  }
0x1: {  	s4 =	rddreg [dreg:$0x0]  }
0x2: {  	s1 =	rddreg [dreg:$0x1]  }
0x3: {  	s0 =	srdreg.scid;
	s5 =	rddreg [dreg:$0x2];
	s3 =	simm.s32 $0x0  }
0x4: {  	s2 =	stileid.u32;
	s6 =	sand.u32 $0x1, s0;
	s0 =	rddreg [dreg:$0x3]  }
0x5: {  	[smem:$0x7FF] =	sst s3;
	s29 =	sshll.u32 s2, $0x2;
	s9 =	sshll.u32 s2, $0x9  }
0x6: {  	s31 =	sshll.u32 s2, $0x11;
	s7 =	ssub.s32 $0x2, s6;
	_ =	strace $0x80000047  }
0x7: {  	s10 =	sshll.u32 s6, $0x8;
	s6 =	sshll.u32 s6, $0x10;
	s8 =	sshrl.u32 s7, $0x1  }
0x8: {  	s30 =	sor.u32 s10, s9;
	s9 =	sadd.s32 s31, s5;
	s10 =	simm.s32 $0x0  }
0x9: {  	s7 =	ssub.s32 s7, s8;
	s8 =	sand.u32 $0x30, s29;
	s6 =	sadd.s32 s6, s9  }
0xa: {  	s9 =	simm.s32 $0x1;
	s4 =	sadd.s32 s4, s8;
	s8 =	sand.u32 $0x700, s30  }
0xb: {  	s5 =	smax.u32 s7, $0x1;
	[dreg:$0x4] =	wrdreg s6;
	s6 =	simm.s32 $0x80  }
0xc: {  	s7 =	simm.s32 $0x200;
	s4 =	sadd.s32 s8, s4;
	s8 =	simm.s32 $0x2  }
.LBB2_1:
0xd: {  	[tilespmem:s3], [sflag:$0x2] =	stream.strided.gather [hbm4b:s4+s6], $0x200, s7, s6, $0x38;
	[tilespmem:$0x1200] =	vst v63  }
0xe: {  	_ = 	snop  }
0xf: {  	[tilespmem:s7], [sflag:$0x2] =	stream.linear.gather [hbm4b:s1+s3], $0x1000, $0x38;
	[tilespmem:$0x1200] =	vst v63  }
0x10: {  	_ =	swait.ge [sflag:s8], $0x200  }
0x11: {  	[sflag:s8] =	ssyncset.done $0x0  }
0x12: {  	[sflag:s8] =	ssyncadd.s32 $0xFFFFFE00  }
0x13: {  	_ =	swait.ge [sflag:s8], $0x1000  }
0x14: {  	[sflag:s8] =	ssyncset.done $0x0  }
0x15: {  	[sflag:s8] =	ssyncadd.s32 $0xFFFFF000  }
0x16: {  	v0 =	vld [tilespmem:s3+$0x0];
	_ =	sdelay $0x4  }
0x17: {  	(v2sf) =	vpush v0, $0x0;
	_ =	sdelay $0x7  }
0x18: {  	(v2sf) =	vpush v0, $0x1;
	_ =	sdelay $0x6  }
0x19: {  	s11 =	spop (v2sf)  }
0x1a: {  	s13 =	sshll.u32 s11, $0xA;
	s11 =	sshll.u32 s11, $0x7  }
0x1b: {  	s13 =	sand.u32 $0xFFFFF000, s13;
	s11 =	sand.u32 $0x180, s11  }
0x1c: {  	s12 =	rddreg [dreg:$0x4];
	s11 =	sor.u32 s11, s13  }
0x1d: {  	s13 =	sadd.s32 $0x0, s12;
	s18 =	sor.u32 $0x200, s11  }
0x1e: {  	[hbm4b:s13+s3] =	stream.linear.scatter [tilespmem:s18], [sflag:$0x1], $0x80, $0x38;
	[tilespmem:$0x1200] =	vst v63  }
0x1f: {  	s19 =	sor.u32 $0x400, s11;
	s14 =	sadd.s32 $0x80, s13  }
0x20: {  	[hbm4b:s14+s3] =	stream.linear.scatter [tilespmem:s19], [sflag:$0x1], $0x80, $0x38;
	[tilespmem:$0x1200] =	vst v63  }
0x21: {  	s20 =	spop (v2sf);
	s21 =	sor.u32 $0x600, s11;
	s15 =	sadd.s32 $0x100, s13  }
0x22: {  	(v2sf) =	vpush v0, $0x2;
	[hbm4b:s15+s3] =	stream.linear.scatter [tilespmem:s21], [sflag:$0x1], $0x80, $0x38;
	[tilespmem:$0x1200] =	vst v63  }
0x23: {  	s22 =	sshll.u32 s20, $0xA;
	s23 =	sor.u32 $0x800, s11;
	s16 =	sadd.s32 $0x180, s13  }
0x24: {  	[hbm4b:s16+s3] =	stream.linear.scatter [tilespmem:s23], [sflag:$0x1], $0x80, $0x38;
	[tilespmem:$0x1200] =	vst v63  }
0x25: {  	s12 =	sshll.u32 s20, $0x7;
	s24 =	sor.u32 $0xA00, s11;
	s25 =	sadd.s32 $0x200, s13  }
0x26: {  	[hbm4b:s25+s3] =	stream.linear.scatter [tilespmem:s24], [sflag:$0x1], $0x80, $0x38;
	[tilespmem:$0x1200] =	vst v63  }
0x27: {  	s26 =	sor.u32 $0xC00, s11;
	s28 =	sadd.s32 $0x280, s13;
	s12 =	sand.u32 $0x180, s12  }
0x28: {  	[hbm4b:s28+s3] =	stream.linear.scatter [tilespmem:s26], [sflag:$0x1], $0x80, $0x38;
	[tilespmem:$0x1200] =	vst v63  }
0x29: {  	s29 =	sor.u32 $0xE00, s11;
	s30 =	sadd.s32 $0x300, s13;
	s14 =	sand.u32 $0xFFFFF000, s22  }
0x2a: {  	[hbm4b:s30+s3] =	stream.linear.scatter [tilespmem:s29], [sflag:$0x1], $0x80, $0x38;
	[tilespmem:$0x1200] =	vst v63  }
0x2b: {  	s11 =	sadd.s32 $0x1000, s11;
	s31 =	sadd.s32 $0x380, s13;
	s12 =	sor.u32 s12, s14  }
0x2c: {  	[hbm4b:s31+s3] =	stream.linear.scatter [tilespmem:s11], [sflag:$0x1], $0x80, $0x38;
	[tilespmem:$0x1200] =	vst v63  }
0x2d: {  	s14 =	sadd.s32 $0x10, s13;
	s15 =	sor.u32 $0x200, s12  }
0x2e: {  	[hbm4b:s14+s3] =	stream.linear.scatter [tilespmem:s15], [sflag:$0x1], $0x80, $0x38;
	[tilespmem:$0x1200] =	vst v63  }
0x2f: {  	s17 =	sadd.s32 $0x90, s13;
	s16 =	sor.u32 $0x400, s12  }
0x30: {  	[hbm4b:s17+s3] =	stream.linear.scatter [tilespmem:s16], [sflag:$0x1], $0x80, $0x38;
	[tilespmem:$0x1200] =	vst v63  }
0x31: {  	s20 =	sadd.s32 $0x110, s13;
	s19 =	sor.u32 $0x600, s12;
	s18 =	spop (v2sf)  }
0x32: {  	(v2sf) =	vpush v0, $0x3;
	[hbm4b:s20+s3] =	stream.linear.scatter [tilespmem:s19], [sflag:$0x1], $0x80, $0x38;
	[tilespmem:$0x1200] =	vst v63  }
0x33: {  	s22 =	sadd.s32 $0x190, s13;
	s23 =	sor.u32 $0x800, s12;
	s24 =	sadd.s32 $0x210, s13  }
0x34: {  	[hbm4b:s22+s3] =	stream.linear.scatter [tilespmem:s23], [sflag:$0x1], $0x80, $0x38;
	[tilespmem:$0x1200] =	vst v63  }
0x35: {  	s25 =	sor.u32 $0xA00, s12;
	s26 =	sadd.s32 $0x290, s13;
	s28 =	sor.u32 $0xC00, s12  }
0x36: {  	[hbm4b:s24+s3] =	stream.linear.scatter [tilespmem:s25], [sflag:$0x1], $0x80, $0x38;
	[tilespmem:$0x1200] =	vst v63  }
0x37: {  	s21 =	sshll.u32 s18, $0xA;
	s29 =	sor.u32 $0xE00, s12;
	s11 =	sshll.u32 s18, $0x7  }
0x38: {  	[hbm4b:s26+s3] =	stream.linear.scatter [tilespmem:s28], [sflag:$0x1], $0x80, $0x38;
	[tilespmem:$0x1200] =	vst v63  }
0x39: {  	s30 =	sadd.s32 $0x310, s13;
	s11 =	sand.u32 $0x180, s11;
	s14 =	sand.u32 $0xFFFFF000, s21  }
0x3a: {  	[hbm4b:s30+s3] =	stream.linear.scatter [tilespmem:s29], [sflag:$0x1], $0x80, $0x38;
	[tilespmem:$0x1200] =	vst v63  }
0x3b: {  	s12 =	sadd.s32 $0x1000, s12;
	s31 =	sadd.s32 $0x390, s13;
	s11 =	sor.u32 s11, s14  }
0x3c: {  	[hbm4b:s31+s3] =	stream.linear.scatter [tilespmem:s12], [sflag:$0x1], $0x80, $0x38;
	[tilespmem:$0x1200] =	vst v63  }
0x3d: {  	s14 =	sadd.s32 $0x20, s13;
	s15 =	sor.u32 $0x200, s11  }
0x3e: {  	[hbm4b:s14+s3] =	stream.linear.scatter [tilespmem:s15], [sflag:$0x1], $0x80, $0x38;
	[tilespmem:$0x1200] =	vst v63  }
0x3f: {  	s16 =	sor.u32 $0x400, s11;
	s17 =	sadd.s32 $0xA0, s13  }
0x40: {  	[hbm4b:s17+s3] =	stream.linear.scatter [tilespmem:s16], [sflag:$0x1], $0x80, $0x38;
	[tilespmem:$0x1200] =	vst v63  }
0x41: {  	s19 =	sor.u32 $0x600, s11;
	s20 =	sadd.s32 $0x120, s13;
	s18 =	spop (v2sf)  }
0x42: {  	(v2sf) =	vpush v0, $0x4;
	[hbm4b:s20+s3] =	stream.linear.scatter [tilespmem:s19], [sflag:$0x1], $0x80, $0x38;
	[tilespmem:$0x1200] =	vst v63  }
0x43: {  	s22 =	sor.u32 $0x800, s11;
	s23 =	sadd.s32 $0x1A0, s13;
	s24 =	sor.u32 $0xA00, s11  }
0x44: {  	[hbm4b:s23+s3] =	stream.linear.scatter [tilespmem:s22], [sflag:$0x1], $0x80, $0x38;
	[tilespmem:$0x1200] =	vst v63  }
0x45: {  	s25 =	sadd.s32 $0x220, s13;
	s21 =	sshll.u32 s18, $0xA;
	s26 =	sadd.s32 $0x2A0, s13  }
0x46: {  	[hbm4b:s25+s3] =	stream.linear.scatter [tilespmem:s24], [sflag:$0x1], $0x80, $0x38;
	[tilespmem:$0x1200] =	vst v63  }
0x47: {  	s28 =	sor.u32 $0xC00, s11;
	s29 =	sadd.s32 $0x320, s13;
	s12 =	sshll.u32 s18, $0x7  }
0x48: {  	[hbm4b:s26+s3] =	stream.linear.scatter [tilespmem:s28], [sflag:$0x1], $0x80, $0x38;
	[tilespmem:$0x1200] =	vst v63  }
0x49: {  	s30 =	sor.u32 $0xE00, s11;
	s12 =	sand.u32 $0x180, s12;
	s14 =	sand.u32 $0xFFFFF000, s21  }
0x4a: {  	[hbm4b:s29+s3] =	stream.linear.scatter [tilespmem:s30], [sflag:$0x1], $0x80, $0x38;
	[tilespmem:$0x1200] =	vst v63  }
0x4b: {  	s11 =	sadd.s32 $0x1000, s11;
	s31 =	sadd.s32 $0x3A0, s13;
	s12 =	sor.u32 s12, s14  }
0x4c: {  	[hbm4b:s31+s3] =	stream.linear.scatter [tilespmem:s11], [sflag:$0x1], $0x80, $0x38;
	[tilespmem:$0x1200] =	vst v63  }
0x4d: {  	s14 =	sadd.s32 $0x30, s13;
	s15 =	sor.u32 $0x200, s12  }
0x4e: {  	[hbm4b:s14+s3] =	stream.linear.scatter [tilespmem:s15], [sflag:$0x1], $0x80, $0x38;
	[tilespmem:$0x1200] =	vst v63  }
0x4f: {  	s16 =	sor.u32 $0x400, s12;
	s17 =	sadd.s32 $0xB0, s13  }
0x50: {  	[hbm4b:s17+s3] =	stream.linear.scatter [tilespmem:s16], [sflag:$0x1], $0x80, $0x38;
	[tilespmem:$0x1200] =	vst v63  }
0x51: {  	s19 =	sor.u32 $0x600, s12;
	s20 =	sadd.s32 $0x130, s13;
	s18 =	spop (v2sf)  }
0x52: {  	(v2sf) =	vpush v0, $0x5;
	[hbm4b:s20+s3] =	stream.linear.scatter [tilespmem:s19], [sflag:$0x1], $0x80, $0x38;
	[tilespmem:$0x1200] =	vst v63  }
0x53: {  	s22 =	sor.u32 $0x800, s12;
	s23 =	sadd.s32 $0x1B0, s13;
	s24 =	sor.u32 $0xA00, s12  }
0x54: {  	[hbm4b:s23+s3] =	stream.linear.scatter [tilespmem:s22], [sflag:$0x1], $0x80, $0x38;
	[tilespmem:$0x1200] =	vst v63  }
0x55: {  	s25 =	sadd.s32 $0x230, s13;
	s21 =	sshll.u32 s18, $0xA;
	s26 =	sor.u32 $0xC00, s12  }
0x56: {  	[hbm4b:s25+s3] =	stream.linear.scatter [tilespmem:s24], [sflag:$0x1], $0x80, $0x38;
	[tilespmem:$0x1200] =	vst v63  }
0x57: {  	s28 =	sadd.s32 $0x2B0, s13;
	s29 =	sor.u32 $0xE00, s12;
	s11 =	sshll.u32 s18, $0x7  }
0x58: {  	[hbm4b:s28+s3] =	stream.linear.scatter [tilespmem:s26], [sflag:$0x1], $0x80, $0x38;
	[tilespmem:$0x1200] =	vst v63  }
0x59: {  	s30 =	sadd.s32 $0x330, s13;
	s11 =	sand.u32 $0x180, s11;
	s14 =	sand.u32 $0xFFFFF000, s21  }
0x5a: {  	[hbm4b:s30+s3] =	stream.linear.scatter [tilespmem:s29], [sflag:$0x1], $0x80, $0x38;
	[tilespmem:$0x1200] =	vst v63  }
0x5b: {  	s12 =	sadd.s32 $0x1000, s12;
	s31 =	sadd.s32 $0x3B0, s13;
	s11 =	sor.u32 s11, s14  }
0x5c: {  	[hbm4b:s31+s3] =	stream.linear.scatter [tilespmem:s12], [sflag:$0x1], $0x80, $0x38;
	[tilespmem:$0x1200] =	vst v63  }
0x5d: {  	s14 =	sadd.s32 $0x40, s13;
	s15 =	sor.u32 $0x200, s11  }
0x5e: {  	[hbm4b:s14+s3] =	stream.linear.scatter [tilespmem:s15], [sflag:$0x1], $0x80, $0x38;
	[tilespmem:$0x1200] =	vst v63  }
0x5f: {  	s16 =	sor.u32 $0x400, s11;
	s17 =	sadd.s32 $0xC0, s13  }
0x60: {  	[hbm4b:s17+s3] =	stream.linear.scatter [tilespmem:s16], [sflag:$0x1], $0x80, $0x38;
	[tilespmem:$0x1200] =	vst v63  }
0x61: {  	s19 =	sor.u32 $0x600, s11;
	s20 =	sadd.s32 $0x140, s13;
	s18 =	spop (v2sf)  }
0x62: {  	(v2sf) =	vpush v0, $0x6;
	[hbm4b:s20+s3] =	stream.linear.scatter [tilespmem:s19], [sflag:$0x1], $0x80, $0x38;
	[tilespmem:$0x1200] =	vst v63  }
0x63: {  	s22 =	sor.u32 $0x800, s11;
	s23 =	sadd.s32 $0x1C0, s13;
	s21 =	sshll.u32 s18, $0xA  }
0x64: {  	[hbm4b:s23+s3] =	stream.linear.scatter [tilespmem:s22], [sflag:$0x1], $0x80, $0x38;
	[tilespmem:$0x1200] =	vst v63  }
0x65: {  	s24 =	sor.u32 $0xA00, s11;
	s25 =	sadd.s32 $0x240, s13;
	s26 =	sor.u32 $0xC00, s11  }
0x66: {  	[hbm4b:s25+s3] =	stream.linear.scatter [tilespmem:s24], [sflag:$0x1], $0x80, $0x38;
	[tilespmem:$0x1200] =	vst v63  }
0x67: {  	s28 =	sadd.s32 $0x2C0, s13;
	s29 =	sor.u32 $0xE00, s11;
	s12 =	sshll.u32 s18, $0x7  }
0x68: {  	[hbm4b:s28+s3] =	stream.linear.scatter [tilespmem:s26], [sflag:$0x1], $0x80, $0x38;
	[tilespmem:$0x1200] =	vst v63  }
0x69: {  	s30 =	sadd.s32 $0x340, s13;
	s12 =	sand.u32 $0x180, s12;
	s14 =	sand.u32 $0xFFFFF000, s21  }
0x6a: {  	[hbm4b:s30+s3] =	stream.linear.scatter [tilespmem:s29], [sflag:$0x1], $0x80, $0x38;
	[tilespmem:$0x1200] =	vst v63  }
0x6b: {  	s11 =	sadd.s32 $0x1000, s11;
	s31 =	sadd.s32 $0x3C0, s13;
	s12 =	sor.u32 s12, s14  }
0x6c: {  	[hbm4b:s31+s3] =	stream.linear.scatter [tilespmem:s11], [sflag:$0x1], $0x80, $0x38;
	[tilespmem:$0x1200] =	vst v63  }
0x6d: {  	s14 =	sadd.s32 $0x50, s13;
	s15 =	sor.u32 $0x200, s12  }
0x6e: {  	[hbm4b:s14+s3] =	stream.linear.scatter [tilespmem:s15], [sflag:$0x1], $0x80, $0x38;
	[tilespmem:$0x1200] =	vst v63  }
0x6f: {  	s16 =	sor.u32 $0x400, s12;
	s17 =	sadd.s32 $0xD0, s13  }
0x70: {  	[hbm4b:s17+s3] =	stream.linear.scatter [tilespmem:s16], [sflag:$0x1], $0x80, $0x38;
	[tilespmem:$0x1200] =	vst v63  }
0x71: {  	s19 =	sor.u32 $0x600, s12;
	s20 =	sadd.s32 $0x150, s13;
	s18 =	spop (v2sf)  }
0x72: {  	(v2sf) =	vpush v0, $0x7;
	[hbm4b:s20+s3] =	stream.linear.scatter [tilespmem:s19], [sflag:$0x1], $0x80, $0x38;
	[tilespmem:$0x1200] =	vst v63  }
0x73: {  	s22 =	sor.u32 $0x800, s12;
	s23 =	sadd.s32 $0x1D0, s13;
	s21 =	sshll.u32 s18, $0xA  }
0x74: {  	[hbm4b:s23+s3] =	stream.linear.scatter [tilespmem:s22], [sflag:$0x1], $0x80, $0x38;
	[tilespmem:$0x1200] =	vst v63  }
0x75: {  	s24 =	sor.u32 $0xA00, s12;
	s25 =	sadd.s32 $0x250, s13;
	s26 =	sor.u32 $0xC00, s12  }
0x76: {  	[hbm4b:s25+s3] =	stream.linear.scatter [tilespmem:s24], [sflag:$0x1], $0x80, $0x38;
	[tilespmem:$0x1200] =	vst v63  }
0x77: {  	s28 =	sadd.s32 $0x2D0, s13;
	s29 =	sor.u32 $0xE00, s12;
	s11 =	sshll.u32 s18, $0x7  }
0x78: {  	[hbm4b:s28+s3] =	stream.linear.scatter [tilespmem:s26], [sflag:$0x1], $0x80, $0x38;
	[tilespmem:$0x1200] =	vst v63  }
0x79: {  	s30 =	sadd.s32 $0x350, s13;
	s11 =	sand.u32 $0x180, s11;
	s14 =	sand.u32 $0xFFFFF000, s21  }
0x7a: {  	[hbm4b:s30+s3] =	stream.linear.scatter [tilespmem:s29], [sflag:$0x1], $0x80, $0x38;
	[tilespmem:$0x1200] =	vst v63  }
0x7b: {  	s12 =	sadd.s32 $0x1000, s12;
	s31 =	sadd.s32 $0x3D0, s13;
	s11 =	sor.u32 s11, s14  }
0x7c: {  	[hbm4b:s31+s3] =	stream.linear.scatter [tilespmem:s12], [sflag:$0x1], $0x80, $0x38;
	[tilespmem:$0x1200] =	vst v63  }
0x7d: {  	s14 =	sadd.s32 $0x60, s13;
	s15 =	sor.u32 $0x200, s11  }
0x7e: {  	[hbm4b:s14+s3] =	stream.linear.scatter [tilespmem:s15], [sflag:$0x1], $0x80, $0x38;
	[tilespmem:$0x1200] =	vst v63  }
0x7f: {  	s16 =	sor.u32 $0x400, s11;
	s17 =	sadd.s32 $0xE0, s13  }
0x80: {  	[hbm4b:s17+s3] =	stream.linear.scatter [tilespmem:s16], [sflag:$0x1], $0x80, $0x38;
	[tilespmem:$0x1200] =	vst v63  }
0x81: {  	s19 =	sor.u32 $0x600, s11;
	s20 =	sadd.s32 $0x160, s13;
	s18 =	spop (v2sf)  }
0x82: {  	(v2sf) =	vpush v0, $0x8;
	[hbm4b:s20+s3] =	stream.linear.scatter [tilespmem:s19], [sflag:$0x1], $0x80, $0x38;
	[tilespmem:$0x1200] =	vst v63  }
0x83: {  	s21 =	sshll.u32 s18, $0xA;
	s22 =	sor.u32 $0x800, s11;
	s23 =	sadd.s32 $0x1E0, s13  }
0x84: {  	[hbm4b:s23+s3] =	stream.linear.scatter [tilespmem:s22], [sflag:$0x1], $0x80, $0x38;
	[tilespmem:$0x1200] =	vst v63  }
0x85: {  	s24 =	sor.u32 $0xA00, s11;
	s25 =	sadd.s32 $0x260, s13;
	s26 =	sor.u32 $0xC00, s11  }
0x86: {  	[hbm4b:s25+s3] =	stream.linear.scatter [tilespmem:s24], [sflag:$0x1], $0x80, $0x38;
	[tilespmem:$0x1200] =	vst v63  }
0x87: {  	s28 =	sadd.s32 $0x2E0, s13;
	s29 =	sor.u32 $0xE00, s11;
	s12 =	sshll.u32 s18, $0x7  }
0x88: {  	[hbm4b:s28+s3] =	stream.linear.scatter [tilespmem:s26], [sflag:$0x1], $0x80, $0x38;
	[tilespmem:$0x1200] =	vst v63  }
0x89: {  	s30 =	sadd.s32 $0x360, s13;
	s12 =	sand.u32 $0x180, s12;
	s14 =	sand.u32 $0xFFFFF000, s21  }
0x8a: {  	[hbm4b:s30+s3] =	stream.linear.scatter [tilespmem:s29], [sflag:$0x1], $0x80, $0x38;
	[tilespmem:$0x1200] =	vst v63  }
0x8b: {  	s11 =	sadd.s32 $0x1000, s11;
	s31 =	sadd.s32 $0x3E0, s13;
	s12 =	sor.u32 s12, s14  }
0x8c: {  	[hbm4b:s31+s3] =	stream.linear.scatter [tilespmem:s11], [sflag:$0x1], $0x80, $0x38;
	[tilespmem:$0x1200] =	vst v63  }
0x8d: {  	s14 =	sadd.s32 $0x70, s13;
	s15 =	sor.u32 $0x200, s12  }
0x8e: {  	[hbm4b:s14+s3] =	stream.linear.scatter [tilespmem:s15], [sflag:$0x1], $0x80, $0x38;
	[tilespmem:$0x1200] =	vst v63  }
0x8f: {  	s16 =	sor.u32 $0x400, s12;
	s17 =	sadd.s32 $0xF0, s13  }
0x90: {  	[hbm4b:s17+s3] =	stream.linear.scatter [tilespmem:s16], [sflag:$0x1], $0x80, $0x38;
	[tilespmem:$0x1200] =	vst v63  }
0x91: {  	s18 =	spop (v2sf);
	s19 =	sor.u32 $0x600, s12;
	s20 =	sadd.s32 $0x170, s13  }
0x92: {  	(v2sf) =	vpush v0, $0x9;
	[hbm4b:s20+s3] =	stream.linear.scatter [tilespmem:s19], [sflag:$0x1], $0x80, $0x38;
	[tilespmem:$0x1200] =	vst v63  }
0x93: {  	s21 =	sshll.u32 s18, $0x7;
	s22 =	sor.u32 $0x800, s12;
	s23 =	sadd.s32 $0x1F0, s13  }
0x94: {  	[hbm4b:s23+s3] =	stream.linear.scatter [tilespmem:s22], [sflag:$0x1], $0x80, $0x38;
	[tilespmem:$0x1200] =	vst v63  }
0x95: {  	s24 =	sor.u32 $0xA00, s12;
	s25 =	sadd.s32 $0x270, s13;
	s26 =	sor.u32 $0xC00, s12  }
0x96: {  	[hbm4b:s25+s3] =	stream.linear.scatter [tilespmem:s24], [sflag:$0x1], $0x80, $0x38;
	[tilespmem:$0x1200] =	vst v63  }
0x97: {  	s28 =	sadd.s32 $0x2F0, s13;
	s29 =	sor.u32 $0xE00, s12;
	s11 =	sshll.u32 s18, $0xA  }
0x98: {  	[hbm4b:s28+s3] =	stream.linear.scatter [tilespmem:s26], [sflag:$0x1], $0x80, $0x38;
	[tilespmem:$0x1200] =	vst v63  }
0x99: {  	s30 =	sadd.s32 $0x370, s13;
	s11 =	sand.u32 $0xFFFFF000, s11;
	s14 =	sand.u32 $0x180, s21  }
0x9a: {  	[hbm4b:s30+s3] =	stream.linear.scatter [tilespmem:s29], [sflag:$0x1], $0x80, $0x38;
	[tilespmem:$0x1200] =	vst v63  }
0x9b: {  	s12 =	sadd.s32 $0x1000, s12;
	s31 =	sadd.s32 $0x3F0, s13;
	s11 =	sor.u32 s14, s11  }
0x9c: {  	[hbm4b:s31+s3] =	stream.linear.scatter [tilespmem:s12], [sflag:$0x1], $0x80, $0x38;
	[tilespmem:$0x1200] =	vst v63  }
0x9d: {  	s14 =	sadd.s32 $0x400, s13;
	s15 =	sor.u32 $0x200, s11  }
0x9e: {  	[hbm4b:s14+s3] =	stream.linear.scatter [tilespmem:s15], [sflag:$0x1], $0x80, $0x38;
	[tilespmem:$0x1200] =	vst v63  }
0x9f: {  	s16 =	sor.u32 $0x400, s11;
	s17 =	sadd.s32 $0x480, s13  }
0xa0: {  	[hbm4b:s17+s3] =	stream.linear.scatter [tilespmem:s16], [sflag:$0x1], $0x80, $0x38;
	[tilespmem:$0x1200] =	vst v63  }
0xa1: {  	s18 =	spop (v2sf);
	s19 =	sor.u32 $0x600, s11;
	s20 =	sadd.s32 $0x500, s13  }
0xa2: {  	(v2sf) =	vpush v0, $0xA;
	[hbm4b:s20+s3] =	stream.linear.scatter [tilespmem:s19], [sflag:$0x1], $0x80, $0x38;
	[tilespmem:$0x1200] =	vst v63  }
0xa3: {  	s21 =	sshll.u32 s18, $0xA;
	s22 =	sor.u32 $0x800, s11;
	s23 =	sadd.s32 $0x580, s13  }
0xa4: {  	[hbm4b:s23+s3] =	stream.linear.scatter [tilespmem:s22], [sflag:$0x1], $0x80, $0x38;
	[tilespmem:$0x1200] =	vst v63  }
0xa5: {  	s24 =	sor.u32 $0xA00, s11;
	s25 =	sadd.s32 $0x600, s13;
	s26 =	sor.u32 $0xC00, s11  }
0xa6: {  	[hbm4b:s25+s3] =	stream.linear.scatter [tilespmem:s24], [sflag:$0x1], $0x80, $0x38;
	[tilespmem:$0x1200] =	vst v63  }
0xa7: {  	s28 =	sadd.s32 $0x680, s13;
	s29 =	sor.u32 $0xE00, s11;
	s12 =	sshll.u32 s18, $0x7  }
0xa8: {  	[hbm4b:s28+s3] =	stream.linear.scatter [tilespmem:s26], [sflag:$0x1], $0x80, $0x38;
	[tilespmem:$0x1200] =	vst v63  }
0xa9: {  	s30 =	sadd.s32 $0x700, s13;
	s12 =	sand.u32 $0x180, s12;
	s14 =	sand.u32 $0xFFFFF000, s21  }
0xaa: {  	[hbm4b:s30+s3] =	stream.linear.scatter [tilespmem:s29], [sflag:$0x1], $0x80, $0x38;
	[tilespmem:$0x1200] =	vst v63  }
0xab: {  	s11 =	sadd.s32 $0x1000, s11;
	s31 =	sadd.s32 $0x780, s13;
	s12 =	sor.u32 s12, s14  }
0xac: {  	[hbm4b:s31+s3] =	stream.linear.scatter [tilespmem:s11], [sflag:$0x1], $0x80, $0x38;
	[tilespmem:$0x1200] =	vst v63  }
0xad: {  	s14 =	sadd.s32 $0x410, s13;
	s15 =	sor.u32 $0x200, s12  }
0xae: {  	[hbm4b:s14+s3] =	stream.linear.scatter [tilespmem:s15], [sflag:$0x1], $0x80, $0x38;
	[tilespmem:$0x1200] =	vst v63  }
0xaf: {  	s16 =	sor.u32 $0x400, s12;
	s17 =	sadd.s32 $0x490, s13  }
0xb0: {  	[hbm4b:s17+s3] =	stream.linear.scatter [tilespmem:s16], [sflag:$0x1], $0x80, $0x38;
	[tilespmem:$0x1200] =	vst v63  }
0xb1: {  	s18 =	spop (v2sf);
	s19 =	sor.u32 $0x600, s12;
	s20 =	sadd.s32 $0x510, s13  }
0xb2: {  	(v2sf) =	vpush v0, $0xB;
	[hbm4b:s20+s3] =	stream.linear.scatter [tilespmem:s19], [sflag:$0x1], $0x80, $0x38;
	[tilespmem:$0x1200] =	vst v63  }
0xb3: {  	s21 =	sshll.u32 s18, $0xA;
	s22 =	sor.u32 $0x800, s12;
	s23 =	sadd.s32 $0x590, s13  }
0xb4: {  	[hbm4b:s23+s3] =	stream.linear.scatter [tilespmem:s22], [sflag:$0x1], $0x80, $0x38;
	[tilespmem:$0x1200] =	vst v63  }
0xb5: {  	s24 =	sor.u32 $0xA00, s12;
	s25 =	sadd.s32 $0x610, s13;
	s26 =	sor.u32 $0xC00, s12  }
0xb6: {  	[hbm4b:s25+s3] =	stream.linear.scatter [tilespmem:s24], [sflag:$0x1], $0x80, $0x38;
	[tilespmem:$0x1200] =	vst v63  }
0xb7: {  	s28 =	sadd.s32 $0x690, s13;
	s29 =	sor.u32 $0xE00, s12;
	s11 =	sshll.u32 s18, $0x7  }
0xb8: {  	[hbm4b:s28+s3] =	stream.linear.scatter [tilespmem:s26], [sflag:$0x1], $0x80, $0x38;
	[tilespmem:$0x1200] =	vst v63  }
0xb9: {  	s30 =	sadd.s32 $0x710, s13;
	s11 =	sand.u32 $0x180, s11;
	s14 =	sand.u32 $0xFFFFF000, s21  }
0xba: {  	[hbm4b:s30+s3] =	stream.linear.scatter [tilespmem:s29], [sflag:$0x1], $0x80, $0x38;
	[tilespmem:$0x1200] =	vst v63  }
0xbb: {  	s12 =	sadd.s32 $0x1000, s12;
	s31 =	sadd.s32 $0x790, s13;
	s11 =	sor.u32 s11, s14  }
0xbc: {  	[hbm4b:s31+s3] =	stream.linear.scatter [tilespmem:s12], [sflag:$0x1], $0x80, $0x38;
	[tilespmem:$0x1200] =	vst v63  }
0xbd: {  	s15 =	sadd.s32 $0x420, s13;
	s14 =	sor.u32 $0x200, s11  }
0xbe: {  	[hbm4b:s15+s3] =	stream.linear.scatter [tilespmem:s14], [sflag:$0x1], $0x80, $0x38;
	[tilespmem:$0x1200] =	vst v63  }
0xbf: {  	s16 =	sor.u32 $0x400, s11;
	s17 =	sadd.s32 $0x4A0, s13  }
0xc0: {  	[hbm4b:s17+s3] =	stream.linear.scatter [tilespmem:s16], [sflag:$0x1], $0x80, $0x38;
	[tilespmem:$0x1200] =	vst v63  }
0xc1: {  	s18 =	spop (v2sf);
	s19 =	sor.u32 $0x600, s11;
	s20 =	sadd.s32 $0x520, s13  }
0xc2: {  	(v2sf) =	vpush v0, $0xC;
	[hbm4b:s20+s3] =	stream.linear.scatter [tilespmem:s19], [sflag:$0x1], $0x80, $0x38;
	[tilespmem:$0x1200] =	vst v63  }
0xc3: {  	s21 =	sshll.u32 s18, $0xA;
	s22 =	sor.u32 $0x800, s11;
	s23 =	sadd.s32 $0x5A0, s13  }
0xc4: {  	[hbm4b:s23+s3] =	stream.linear.scatter [tilespmem:s22], [sflag:$0x1], $0x80, $0x38;
	[tilespmem:$0x1200] =	vst v63  }
0xc5: {  	s24 =	sor.u32 $0xA00, s11;
	s25 =	sadd.s32 $0x620, s13;
	s26 =	sor.u32 $0xC00, s11  }
0xc6: {  	[hbm4b:s25+s3] =	stream.linear.scatter [tilespmem:s24], [sflag:$0x1], $0x80, $0x38;
	[tilespmem:$0x1200] =	vst v63  }
0xc7: {  	s28 =	sadd.s32 $0x6A0, s13;
	s29 =	sor.u32 $0xE00, s11;
	s12 =	sshll.u32 s18, $0x7  }
0xc8: {  	[hbm4b:s28+s3] =	stream.linear.scatter [tilespmem:s26], [sflag:$0x1], $0x80, $0x38;
	[tilespmem:$0x1200] =	vst v63  }
0xc9: {  	s30 =	sadd.s32 $0x720, s13;
	s12 =	sand.u32 $0x180, s12;
	s14 =	sand.u32 $0xFFFFF000, s21  }
0xca: {  	[hbm4b:s30+s3] =	stream.linear.scatter [tilespmem:s29], [sflag:$0x1], $0x80, $0x38;
	[tilespmem:$0x1200] =	vst v63  }
0xcb: {  	s11 =	sadd.s32 $0x1000, s11;
	s31 =	sadd.s32 $0x7A0, s13;
	s12 =	sor.u32 s12, s14  }
0xcc: {  	[hbm4b:s31+s3] =	stream.linear.scatter [tilespmem:s11], [sflag:$0x1], $0x80, $0x38;
	[tilespmem:$0x1200] =	vst v63  }
0xcd: {  	s14 =	sadd.s32 $0x430, s13;
	s15 =	sor.u32 $0x200, s12  }
0xce: {  	[hbm4b:s14+s3] =	stream.linear.scatter [tilespmem:s15], [sflag:$0x1], $0x80, $0x38;
	[tilespmem:$0x1200] =	vst v63  }
0xcf: {  	s16 =	sor.u32 $0x400, s12;
	s17 =	sadd.s32 $0x4B0, s13  }
0xd0: {  	[hbm4b:s17+s3] =	stream.linear.scatter [tilespmem:s16], [sflag:$0x1], $0x80, $0x38;
	[tilespmem:$0x1200] =	vst v63  }
0xd1: {  	s18 =	spop (v2sf);
	s19 =	sor.u32 $0x600, s12;
	s20 =	sadd.s32 $0x530, s13  }
0xd2: {  	(v2sf) =	vpush v0, $0xD;
	[hbm4b:s20+s3] =	stream.linear.scatter [tilespmem:s19], [sflag:$0x1], $0x80, $0x38;
	[tilespmem:$0x1200] =	vst v63  }
0xd3: {  	s21 =	sshll.u32 s18, $0xA;
	s22 =	sor.u32 $0x800, s12;
	s23 =	sadd.s32 $0x5B0, s13  }
0xd4: {  	[hbm4b:s23+s3] =	stream.linear.scatter [tilespmem:s22], [sflag:$0x1], $0x80, $0x38;
	[tilespmem:$0x1200] =	vst v63  }
0xd5: {  	s24 =	sor.u32 $0xA00, s12;
	s25 =	sadd.s32 $0x630, s13;
	s26 =	sor.u32 $0xC00, s12  }
0xd6: {  	[hbm4b:s25+s3] =	stream.linear.scatter [tilespmem:s24], [sflag:$0x1], $0x80, $0x38;
	[tilespmem:$0x1200] =	vst v63  }
0xd7: {  	s28 =	sadd.s32 $0x6B0, s13;
	s29 =	sor.u32 $0xE00, s12;
	s11 =	sshll.u32 s18, $0x7  }
0xd8: {  	[hbm4b:s28+s3] =	stream.linear.scatter [tilespmem:s26], [sflag:$0x1], $0x80, $0x38;
	[tilespmem:$0x1200] =	vst v63  }
0xd9: {  	s30 =	sadd.s32 $0x730, s13;
	s11 =	sand.u32 $0x180, s11;
	s14 =	sand.u32 $0xFFFFF000, s21  }
0xda: {  	[hbm4b:s30+s3] =	stream.linear.scatter [tilespmem:s29], [sflag:$0x1], $0x80, $0x38;
	[tilespmem:$0x1200] =	vst v63  }
0xdb: {  	s12 =	sadd.s32 $0x1000, s12;
	s31 =	sadd.s32 $0x7B0, s13;
	s11 =	sor.u32 s11, s14  }
0xdc: {  	[hbm4b:s31+s3] =	stream.linear.scatter [tilespmem:s12], [sflag:$0x1], $0x80, $0x38;
	[tilespmem:$0x1200] =	vst v63  }
0xdd: {  	s14 =	sadd.s32 $0x440, s13;
	s15 =	sor.u32 $0x200, s11  }
0xde: {  	[hbm4b:s14+s3] =	stream.linear.scatter [tilespmem:s15], [sflag:$0x1], $0x80, $0x38;
	[tilespmem:$0x1200] =	vst v63  }
0xdf: {  	s16 =	sor.u32 $0x400, s11;
	s17 =	sadd.s32 $0x4C0, s13  }
0xe0: {  	[hbm4b:s17+s3] =	stream.linear.scatter [tilespmem:s16], [sflag:$0x1], $0x80, $0x38;
	[tilespmem:$0x1200] =	vst v63  }
0xe1: {  	s18 =	spop (v2sf);
	s19 =	sor.u32 $0x600, s11;
	s20 =	sadd.s32 $0x540, s13  }
0xe2: {  	(v2sf) =	vpush v0, $0xE;
	[hbm4b:s20+s3] =	stream.linear.scatter [tilespmem:s19], [sflag:$0x1], $0x80, $0x38;
	[tilespmem:$0x1200] =	vst v63  }
0xe3: {  	s21 =	sshll.u32 s18, $0xA;
	s22 =	sor.u32 $0x800, s11;
	s23 =	sadd.s32 $0x5C0, s13  }
0xe4: {  	[hbm4b:s23+s3] =	stream.linear.scatter [tilespmem:s22], [sflag:$0x1], $0x80, $0x38;
	[tilespmem:$0x1200] =	vst v63  }
0xe5: {  	s24 =	sor.u32 $0xA00, s11;
	s25 =	sadd.s32 $0x640, s13;
	s26 =	sor.u32 $0xC00, s11  }
0xe6: {  	[hbm4b:s25+s3] =	stream.linear.scatter [tilespmem:s24], [sflag:$0x1], $0x80, $0x38;
	[tilespmem:$0x1200] =	vst v63  }
0xe7: {  	s28 =	sadd.s32 $0x6C0, s13;
	s29 =	sor.u32 $0xE00, s11;
	s12 =	sshll.u32 s18, $0x7  }
0xe8: {  	[hbm4b:s28+s3] =	stream.linear.scatter [tilespmem:s26], [sflag:$0x1], $0x80, $0x38;
	[tilespmem:$0x1200] =	vst v63  }
0xe9: {  	s30 =	sadd.s32 $0x740, s13;
	s12 =	sand.u32 $0x180, s12;
	s14 =	sand.u32 $0xFFFFF000, s21  }
0xea: {  	[hbm4b:s30+s3] =	stream.linear.scatter [tilespmem:s29], [sflag:$0x1], $0x80, $0x38;
	[tilespmem:$0x1200] =	vst v63  }
0xeb: {  	s11 =	sadd.s32 $0x1000, s11;
	s31 =	sadd.s32 $0x7C0, s13;
	s12 =	sor.u32 s12, s14  }
0xec: {  	[hbm4b:s31+s3] =	stream.linear.scatter [tilespmem:s11], [sflag:$0x1], $0x80, $0x38;
	[tilespmem:$0x1200] =	vst v63  }
0xed: {  	s14 =	sadd.s32 $0x450, s13;
	s15 =	sor.u32 $0x200, s12  }
0xee: {  	[hbm4b:s14+s3] =	stream.linear.scatter [tilespmem:s15], [sflag:$0x1], $0x80, $0x38;
	[tilespmem:$0x1200] =	vst v63  }
0xef: {  	s16 =	sor.u32 $0x400, s12;
	s17 =	sadd.s32 $0x4D0, s13  }
0xf0: {  	[hbm4b:s17+s3] =	stream.linear.scatter [tilespmem:s16], [sflag:$0x1], $0x80, $0x38;
	[tilespmem:$0x1200] =	vst v63  }
0xf1: {  	s18 =	spop (v2sf);
	s19 =	sor.u32 $0x600, s12;
	s20 =	sadd.s32 $0x550, s13  }
0xf2: {  	(v2sf) =	vpush v0, $0xF;
	[hbm4b:s20+s3] =	stream.linear.scatter [tilespmem:s19], [sflag:$0x1], $0x80, $0x38;
	[tilespmem:$0x1200] =	vst v63  }
0xf3: {  	s21 =	sshll.u32 s18, $0xA;
	s22 =	sor.u32 $0x800, s12;
	s23 =	sadd.s32 $0x5D0, s13  }
0xf4: {  	[hbm4b:s23+s3] =	stream.linear.scatter [tilespmem:s22], [sflag:$0x1], $0x80, $0x38;
	[tilespmem:$0x1200] =	vst v63  }
0xf5: {  	s24 =	sor.u32 $0xA00, s12;
	s25 =	sadd.s32 $0x650, s13;
	s26 =	sor.u32 $0xC00, s12  }
0xf6: {  	[hbm4b:s25+s3] =	stream.linear.scatter [tilespmem:s24], [sflag:$0x1], $0x80, $0x38;
	[tilespmem:$0x1200] =	vst v63  }
0xf7: {  	s28 =	sadd.s32 $0x6D0, s13;
	s29 =	sor.u32 $0xE00, s12;
	s11 =	sshll.u32 s18, $0x7  }
0xf8: {  	[hbm4b:s28+s3] =	stream.linear.scatter [tilespmem:s26], [sflag:$0x1], $0x80, $0x38;
	[tilespmem:$0x1200] =	vst v63  }
0xf9: {  	s30 =	sadd.s32 $0x750, s13;
	s11 =	sand.u32 $0x180, s11;
	s14 =	sand.u32 $0xFFFFF000, s21  }
0xfa: {  	[hbm4b:s30+s3] =	stream.linear.scatter [tilespmem:s29], [sflag:$0x1], $0x80, $0x38;
	[tilespmem:$0x1200] =	vst v63  }
0xfb: {  	s12 =	sadd.s32 $0x1000, s12;
	s31 =	sadd.s32 $0x7D0, s13;
	s11 =	sor.u32 s11, s14  }
0xfc: {  	[hbm4b:s31+s3] =	stream.linear.scatter [tilespmem:s12], [sflag:$0x1], $0x80, $0x38;
	[tilespmem:$0x1200] =	vst v63  }
0xfd: {  	s15 =	sadd.s32 $0x460, s13;
	s16 =	sor.u32 $0x200, s11  }
0xfe: {  	[hbm4b:s15+s3] =	stream.linear.scatter [tilespmem:s16], [sflag:$0x1], $0x80, $0x38;
	[tilespmem:$0x1200] =	vst v63  }
0xff: {  	s18 =	sadd.s32 $0x4E0, s13;
	s17 =	sor.u32 $0x400, s11  }
0x100: {  	[hbm4b:s18+s3] =	stream.linear.scatter [tilespmem:s17], [sflag:$0x1], $0x80, $0x38;
	[tilespmem:$0x1200] =	vst v63  }
0x101: {  	s21 =	sadd.s32 $0x560, s13;
	s19 =	spop (v2sf);
	s20 =	sor.u32 $0x600, s11  }
0x102: {  	[hbm4b:s21+s3] =	stream.linear.scatter [tilespmem:s20], [sflag:$0x1], $0x80, $0x38;
	[tilespmem:$0x1200] =	vst v63  }
0x103: {  	s22 =	sshll.u32 s19, $0xA;
	s23 =	sor.u32 $0x800, s11;
	s24 =	sadd.s32 $0x5E0, s13  }
0x104: {  	[hbm4b:s24+s3] =	stream.linear.scatter [tilespmem:s23], [sflag:$0x1], $0x80, $0x38;
	[tilespmem:$0x1200] =	vst v63  }
0x105: {  	s14 =	sand.u32 $0xFFFFF000, s22;
	s25 =	sor.u32 $0xA00, s11;
	s26 =	sadd.s32 $0x660, s13  }
0x106: {  	[hbm4b:s26+s3] =	stream.linear.scatter [tilespmem:s25], [sflag:$0x1], $0x80, $0x38;
	[tilespmem:$0x1200] =	vst v63  }
0x107: {  	s28 =	sor.u32 $0xC00, s11;
	s29 =	sadd.s32 $0x6E0, s13;
	s12 =	sshll.u32 s19, $0x7  }
0x108: {  	[hbm4b:s29+s3] =	stream.linear.scatter [tilespmem:s28], [sflag:$0x1], $0x80, $0x38;
	[tilespmem:$0x1200] =	vst v63  }
0x109: {  	s30 =	sor.u32 $0xE00, s11;
	s31 =	sadd.s32 $0x760, s13;
	s12 =	sand.u32 $0x180, s12  }
0x10a: {  	[hbm4b:s31+s3] =	stream.linear.scatter [tilespmem:s30], [sflag:$0x1], $0x80, $0x38;
	[tilespmem:$0x1200] =	vst v63  }
0x10b: {  	s11 =	sadd.s32 $0x1000, s11;
	s14 =	sor.u32 s12, s14;
	s16 =	sadd.s32 $0x7E0, s13  }
0x10c: {  	[hbm4b:s16+s3] =	stream.linear.scatter [tilespmem:s11], [sflag:$0x1], $0x80, $0x38;
	[tilespmem:$0x1200] =	vst v63  }
0x10d: {  	s17 =	sadd.s32 $0x470, s13;
	s18 =	sor.u32 $0x200, s14  }
0x10e: {  	[hbm4b:s17+s3] =	stream.linear.scatter [tilespmem:s18], [sflag:$0x1], $0x80, $0x38;
	[tilespmem:$0x1200] =	vst v63  }
0x10f: {  	p1 =	por $0x1, $0x1;
	s19 =	sor.u32 $0x400, s14;
	s20 =	sadd.s32 $0x4F0, s13  }
0x110: {  	[hbm4b:s20+s3] =	stream.linear.scatter [tilespmem:s19], [sflag:$0x1], $0x80, $0x38;
	[tilespmem:$0x1200] =	vst v63  }
0x111: {  	s22 =	sadd.s32 $0x570, s13;
	s12 =	simm.s32 $0x10;
	s21 =	sor.u32 $0x600, s14  }
0x112: {  	[hbm4b:s22+s3] =	stream.linear.scatter [tilespmem:s21], [sflag:$0x1], $0x80, $0x38;
	[tilespmem:$0x1200] =	vst v63  }
0x113: {  	s15 =	sadd.s32 $0x1000, s14;
	s23 =	sor.u32 $0x800, s14;
	s24 =	sadd.s32 $0x5F0, s13  }
0x114: {  	[hbm4b:s24+s3] =	stream.linear.scatter [tilespmem:s23], [sflag:$0x1], $0x80, $0x38;
	[tilespmem:$0x1200] =	vst v63  }
0x115: {  	s25 =	sor.u32 $0xA00, s14;
	s26 =	sadd.s32 $0x670, s13;
	s28 =	sor.u32 $0xC00, s14  }
0x116: {  	[hbm4b:s26+s3] =	stream.linear.scatter [tilespmem:s25], [sflag:$0x1], $0x80, $0x38;
	[tilespmem:$0x1200] =	vst v63  }
0x117: {  	s29 =	sadd.s32 $0x6F0, s13;
	s30 =	sor.u32 $0xE00, s14;
	s31 =	sadd.s32 $0x770, s13  }
0x118: {  	[hbm4b:s29+s3] =	stream.linear.scatter [tilespmem:s28], [sflag:$0x1], $0x80, $0x38;
	[tilespmem:$0x1200] =	vst v63  }
0x119: {  	s14 =	sadd.s32 $0x7F0, s13;
	s13 =	simm.s32 $0x0;
	s11 =	simm.s32 $0x800  }
0x11a: {  	[hbm4b:s31+s3] =	stream.linear.scatter [tilespmem:s30], [sflag:$0x1], $0x80, $0x38;
	[tilespmem:$0x1200] =	vst v63  }
.LBB2_2:
0x11b: {  	s16 =	simm.s32 @!p1 $0x1  }
0x11c: {  	[hbm4b:s14+s3] =	stream.linear.scatter [tilespmem:s15], [sflag:$0x1], $0x80, $0x38;
	[tilespmem:$0x1200] =	vst v63  }
0x11d: {  	_ =	swait.ge @!p1 [sflag:s16], $0x800  }
0x11e: {  	[sflag:s16] =	ssyncset.done @!p1 $0x0  }
0x11f: {  	[sflag:s16] =	ssyncadd.s32 @!p1 $0xFFFFF800  }
0x120: {  	v0 =	vld [tilespmem:s12+$0x0];
	_ =	sdelay $0x4  }
0x121: {  	(v2sf) =	vpush v0, $0x0  }
0x122: {  	(v2sf) =	vpush v0, $0x1;
	_ =	sdelay $0x1  }
0x123: {  	(v2sf) =	vpush v0, $0x2;
	_ =	sdelay $0x5  }
0x124: {  	(v2sf) =	vpush v0, $0x3;
	_ =	sdelay $0x2  }
0x125: {  	s17 =	smov.u32 s11;
	s31 =	rddreg [dreg:$0x4]  }
0x126: {  	s14 =	sadd.s32 s17, s31  }
0x127: {  	s23 =	sadd.s32 $0x80, s14;
	s25 =	sadd.s32 $0x100, s14  }
0x128: {  	s29 =	sadd.s32 $0x180, s14;
	s31 =	sadd.s32 $0x200, s14;
	s18 =	spop (v2sf)  }
0x129: {  	s19 =	sshll.u32 s18, $0xA;
	s15 =	sshll.u32 s18, $0x7;
	s18 =	spop (v2sf)  }
0x12a: {  	s16 =	sand.u32 $0xFFFFF000, s19;
	s15 =	sand.u32 $0x180, s15;
	s19 =	sshll.u32 s18, $0xA  }
0x12b: {  	s18 =	sshll.u32 s18, $0x7;
	s26 =	spop (v2sf);
	s15 =	sor.u32 s15, s16  }
0x12c: {  	s20 =	sand.u32 $0xFFFFF000, s19;
	s18 =	sand.u32 $0x180, s18;
	s19 =	sshll.u32 s26, $0x7  }
0x12d: {  	s21 =	sor.u32 $0x200, s15;
	s22 =	sor.u32 $0x400, s15;
	s16 =	sor.u32 s18, s20  }
0x12e: {  	(v2sf) =	vpush v0, $0x4;
	[hbm4b:s14+s3] =	stream.linear.scatter [tilespmem:s21], [sflag:$0x1], $0x80, $0x38;
	[tilespmem:$0x1200] =	vst v63  }
0x12f: {  	s24 =	sor.u32 $0x600, s15;
	s20 =	sshll.u32 s26, $0xA;
	s28 =	sor.u32 $0x800, s15  }
0x130: {  	[hbm4b:s23+s3] =	stream.linear.scatter [tilespmem:s22], [sflag:$0x1], $0x80, $0x38;
	[tilespmem:$0x1200] =	vst v63  }
0x131: {  	s30 =	sor.u32 $0xA00, s15;
	s18 =	sor.u32 $0xC00, s15;
	s21 =	spop (v2sf)  }
0x132: {  	[hbm4b:s25+s3] =	stream.linear.scatter [tilespmem:s24], [sflag:$0x1], $0x80, $0x38;
	[tilespmem:$0x1200] =	vst v63  }
0x133: {  	s26 =	sadd.s32 $0x380, s14;
	s19 =	sand.u32 $0x180, s19;
	s22 =	sshll.u32 s21, $0xA  }
0x134: {  	[hbm4b:s29+s3] =	stream.linear.scatter [tilespmem:s28], [sflag:$0x1], $0x80, $0x38;
	[tilespmem:$0x1200] =	vst v63  }
0x135: {  	s21 =	sshll.u32 s21, $0x7;
	s23 =	sadd.s32 $0x280, s14;
	s22 =	sand.u32 $0xFFFFF000, s22  }
0x136: {  	[hbm4b:s31+s3] =	stream.linear.scatter [tilespmem:s30], [sflag:$0x1], $0x80, $0x38;
	[tilespmem:$0x1200] =	vst v63  }
0x137: {  	s21 =	sand.u32 $0x180, s21;
	s24 =	sor.u32 $0xE00, s15;
	s25 =	sadd.s32 $0x300, s14  }
0x138: {  	[hbm4b:s23+s3] =	stream.linear.scatter [tilespmem:s18], [sflag:$0x1], $0x80, $0x38;
	[tilespmem:$0x1200] =	vst v63  }
0x139: {  	s15 =	sadd.s32 $0x1000, s15;
	s28 =	sadd.s32 $0x10, s14;
	s29 =	sor.u32 $0x200, s16  }
0x13a: {  	[hbm4b:s25+s3] =	stream.linear.scatter [tilespmem:s24], [sflag:$0x1], $0x80, $0x38;
	[tilespmem:$0x1200] =	vst v63  }
0x13b: {  	s30 =	sor.u32 $0x400, s16;
	s31 =	sadd.s32 $0x90, s14;
	s23 =	sadd.s32 $0x290, s14  }
0x13c: {  	(v2sf) =	vpush v0, $0x5;
	[hbm4b:s26+s3] =	stream.linear.scatter [tilespmem:s15], [sflag:$0x1], $0x80, $0x38;
	[tilespmem:$0x1200] =	vst v63  }
0x13d: {  	s18 =	sor.u32 $0x600, s16;
	s24 =	spop (v2sf);
	s25 =	sadd.s32 $0x210, s14  }
0x13e: {  	[hbm4b:s28+s3] =	stream.linear.scatter [tilespmem:s29], [sflag:$0x1], $0x80, $0x38;
	[tilespmem:$0x1200] =	vst v63  }
0x13f: {  	s26 =	sadd.s32 $0x110, s14;
	s15 =	sor.u32 s21, s22;
	s21 =	sadd.s32 $0x390, s14  }
0x140: {  	[hbm4b:s31+s3] =	stream.linear.scatter [tilespmem:s30], [sflag:$0x1], $0x80, $0x38;
	[tilespmem:$0x1200] =	vst v63  }
0x141: {  	s28 =	sadd.s32 $0x190, s14;
	s30 =	sand.u32 $0xFFFFF000, s20;
	s20 =	sshll.u32 s24, $0xA  }
0x142: {  	[hbm4b:s26+s3] =	stream.linear.scatter [tilespmem:s18], [sflag:$0x1], $0x80, $0x38;
	[tilespmem:$0x1200] =	vst v63  }
0x143: {  	s29 =	sor.u32 $0x800, s16;
	s31 =	sor.u32 $0xA00, s16;
	s17 =	sand.u32 $0xFFFFF000, s20  }
0x144: {  	[hbm4b:s28+s3] =	stream.linear.scatter [tilespmem:s29], [sflag:$0x1], $0x80, $0x38;
	[tilespmem:$0x1200] =	vst v63  }
0x145: {  	s18 =	sor.u32 s19, s30;
	s26 =	sor.u32 $0xC00, s16;
	s30 =	sadd.s32 $0x310, s14  }
0x146: {  	[hbm4b:s25+s3] =	stream.linear.scatter [tilespmem:s31], [sflag:$0x1], $0x80, $0x38;
	[tilespmem:$0x1200] =	vst v63  }
0x147: {  	s28 =	sshll.u32 s24, $0x7;
	s29 =	sor.u32 $0xE00, s16;
	s16 =	sadd.s32 $0x1000, s16  }
0x148: {  	(v2sf) =	vpush v0, $0x6;
	[hbm4b:s23+s3] =	stream.linear.scatter [tilespmem:s26], [sflag:$0x1], $0x80, $0x38;
	[tilespmem:$0x1200] =	vst v63  }
0x149: {  	s24 =	sor.u32 $0x200, s18;
	s20 =	sand.u32 $0x180, s28;
	s28 =	sor.u32 $0x600, s18  }
0x14a: {  	[hbm4b:s30+s3] =	stream.linear.scatter [tilespmem:s29], [sflag:$0x1], $0x80, $0x38;
	[tilespmem:$0x1200] =	vst v63  }
0x14b: {  	s19 =	sor.u32 s20, s17;
	s31 =	spop (v2sf);
	s25 =	sor.u32 $0x400, s18  }
0x14c: {  	[hbm4b:s21+s3] =	stream.linear.scatter [tilespmem:s16], [sflag:$0x1], $0x80, $0x38;
	[tilespmem:$0x1200] =	vst v63  }
0x14d: {  	s20 =	sadd.s32 $0x30, s14;
	s22 =	sshll.u32 s31, $0xA;
	s23 =	sadd.s32 $0x20, s14  }
0x14e: {  	[hbm4b:s23+s3] =	stream.linear.scatter [tilespmem:s24], [sflag:$0x1], $0x80, $0x38;
	[tilespmem:$0x1200] =	vst v63  }
0x14f: {  	s17 =	sshll.u32 s31, $0x7;
	s31 =	sadd.s32 $0x1A0, s14;
	s26 =	sadd.s32 $0xA0, s14  }
0x150: {  	[hbm4b:s26+s3] =	stream.linear.scatter [tilespmem:s25], [sflag:$0x1], $0x80, $0x38;
	[tilespmem:$0x1200] =	vst v63  }
0x151: {  	s17 =	sand.u32 $0x180, s17;
	s29 =	sadd.s32 $0x120, s14;
	s21 =	sand.u32 $0xFFFFF000, s22  }
0x152: {  	[hbm4b:s29+s3] =	stream.linear.scatter [tilespmem:s28], [sflag:$0x1], $0x80, $0x38;
	[tilespmem:$0x1200] =	vst v63  }
0x153: {  	s30 =	sor.u32 $0x800, s18;
	s22 =	sor.u32 $0xA00, s18;
	s17 =	sor.u32 s17, s21  }
0x154: {  	(v2sf) =	vpush v0, $0x7;
	[hbm4b:s31+s3] =	stream.linear.scatter [tilespmem:s30], [sflag:$0x1], $0x80, $0x38;
	[tilespmem:$0x1200] =	vst v63  }
0x155: {  	s21 =	sor.u32 $0x800, s19;
	s23 =	sadd.s32 $0x220, s14;
	s24 =	sadd.s32 $0x2A0, s14  }
0x156: {  	[hbm4b:s23+s3] =	stream.linear.scatter [tilespmem:s22], [sflag:$0x1], $0x80, $0x38;
	[tilespmem:$0x1200] =	vst v63  }
0x157: {  	s25 =	sor.u32 $0xC00, s18;
	s26 =	sadd.s32 $0x320, s14;
	s28 =	spop (v2sf)  }
0x158: {  	[hbm4b:s24+s3] =	stream.linear.scatter [tilespmem:s25], [sflag:$0x1], $0x80, $0x38;
	[tilespmem:$0x1200] =	vst v63  }
0x159: {  	s29 =	sor.u32 $0xE00, s18;
	s18 =	sadd.s32 $0x1000, s18;
	s30 =	sadd.s32 $0x3A0, s14  }
0x15a: {  	[hbm4b:s26+s3] =	stream.linear.scatter [tilespmem:s29], [sflag:$0x1], $0x80, $0x38;
	[tilespmem:$0x1200] =	vst v63  }
0x15b: {  	s31 =	sshll.u32 s28, $0xA;
	s22 =	sshll.u32 s28, $0x7;
	s28 =	sor.u32 $0x600, s15  }
0x15c: {  	(v2sf) =	vpush v0, $0x8;
	[hbm4b:s30+s3] =	stream.linear.scatter [tilespmem:s18], [sflag:$0x1], $0x80, $0x38;
	[tilespmem:$0x1200] =	vst v63  }
0x15d: {  	s23 =	sand.u32 $0xFFFFF000, s31;
	s31 =	sadd.s32 $0x1B0, s14;
	s24 =	sor.u32 $0x200, s15  }
0x15e: {  	[hbm4b:s20+s3] =	stream.linear.scatter [tilespmem:s24], [sflag:$0x1], $0x80, $0x38;
	[tilespmem:$0x1200] =	vst v63  }
0x15f: {  	s22 =	sand.u32 $0x180, s22;
	s25 =	sor.u32 $0x400, s15;
	s26 =	sadd.s32 $0xB0, s14  }
0x160: {  	[hbm4b:s26+s3] =	stream.linear.scatter [tilespmem:s25], [sflag:$0x1], $0x80, $0x38;
	[tilespmem:$0x1200] =	vst v63  }
0x161: {  	s29 =	sadd.s32 $0x130, s14;
	s30 =	sor.u32 $0x800, s15;
	s18 =	sor.u32 s22, s23  }
0x162: {  	[hbm4b:s29+s3] =	stream.linear.scatter [tilespmem:s28], [sflag:$0x1], $0x80, $0x38;
	[tilespmem:$0x1200] =	vst v63  }
0x163: {  	s22 =	spop (v2sf);
	s24 =	sor.u32 $0xA00, s15;
	s25 =	sadd.s32 $0x230, s14  }
0x164: {  	[hbm4b:s31+s3] =	stream.linear.scatter [tilespmem:s30], [sflag:$0x1], $0x80, $0x38;
	[tilespmem:$0x1200] =	vst v63  }
0x165: {  	s26 =	sor.u32 $0xC00, s15;
	s28 =	sadd.s32 $0x2B0, s14;
	s29 =	sor.u32 $0xE00, s15  }
0x166: {  	(v2sf) =	vpush v0, $0x9;
	[hbm4b:s25+s3] =	stream.linear.scatter [tilespmem:s24], [sflag:$0x1], $0x80, $0x38;
	[tilespmem:$0x1200] =	vst v63  }
0x167: {  	s15 =	sadd.s32 $0x1000, s15;
	s31 =	sshll.u32 s22, $0xA;
	s22 =	sshll.u32 s22, $0x7  }
0x168: {  	[hbm4b:s28+s3] =	stream.linear.scatter [tilespmem:s26], [sflag:$0x1], $0x80, $0x38;
	[tilespmem:$0x1200] =	vst v63  }
0x169: {  	s30 =	sadd.s32 $0x330, s14;
	s22 =	sand.u32 $0x180, s22;
	s25 =	sadd.s32 $0x3B0, s14  }
0x16a: {  	[hbm4b:s30+s3] =	stream.linear.scatter [tilespmem:s29], [sflag:$0x1], $0x80, $0x38;
	[tilespmem:$0x1200] =	vst v63  }
0x16b: {  	s26 =	sand.u32 $0xFFFFF000, s31;
	s28 =	sadd.s32 $0x40, s14;
	s29 =	spop (v2sf)  }
0x16c: {  	[hbm4b:s25+s3] =	stream.linear.scatter [tilespmem:s15], [sflag:$0x1], $0x80, $0x38;
	[tilespmem:$0x1200] =	vst v63  }
0x16d: {  	s16 =	sor.u32 s22, s26;
	s30 =	sor.u32 $0x200, s19;
	s31 =	sshll.u32 s29, $0x7  }
0x16e: {  	[hbm4b:s28+s3] =	stream.linear.scatter [tilespmem:s30], [sflag:$0x1], $0x80, $0x38;
	[tilespmem:$0x1200] =	vst v63  }
0x16f: {  	s23 =	sshll.u32 s29, $0xA;
	s29 =	sadd.s32 $0xC0, s14;
	s28 =	sor.u32 $0x400, s19  }
0x170: {  	[hbm4b:s29+s3] =	stream.linear.scatter [tilespmem:s28], [sflag:$0x1], $0x80, $0x38;
	[tilespmem:$0x1200] =	vst v63  }
0x171: {  	s26 =	sand.u32 $0x180, s31;
	s31 =	sadd.s32 $0x140, s14;
	s30 =	sor.u32 $0x600, s19  }
0x172: {  	[hbm4b:s31+s3] =	stream.linear.scatter [tilespmem:s30], [sflag:$0x1], $0x80, $0x38;
	[tilespmem:$0x1200] =	vst v63  }
0x173: {  	s24 =	sor.u32 $0xA00, s19;
	s15 =	sand.u32 $0xFFFFF000, s23;
	s23 =	sadd.s32 $0x1C0, s14  }
0x174: {  	(v2sf) =	vpush v0, $0xA;
	[hbm4b:s23+s3] =	stream.linear.scatter [tilespmem:s21], [sflag:$0x1], $0x80, $0x38;
	[tilespmem:$0x1200] =	vst v63  }
0x175: {  	s22 =	spop (v2sf);
	s25 =	sadd.s32 $0x240, s14;
	s15 =	sor.u32 s26, s15  }
0x176: {  	[hbm4b:s25+s3] =	stream.linear.scatter [tilespmem:s24], [sflag:$0x1], $0x80, $0x38;
	[tilespmem:$0x1200] =	vst v63  }
0x177: {  	s26 =	sshll.u32 s22, $0xA;
	s28 =	sor.u32 $0xC00, s19;
	s29 =	sadd.s32 $0x2C0, s14  }
0x178: {  	[hbm4b:s29+s3] =	stream.linear.scatter [tilespmem:s28], [sflag:$0x1], $0x80, $0x38;
	[tilespmem:$0x1200] =	vst v63  }
0x179: {  	s22 =	sshll.u32 s22, $0x7;
	s30 =	sor.u32 $0xE00, s19;
	s31 =	sadd.s32 $0x340, s14  }
0x17a: {  	(v2sf) =	vpush v0, $0xB;
	[hbm4b:s31+s3] =	stream.linear.scatter [tilespmem:s30], [sflag:$0x1], $0x80, $0x38;
	[tilespmem:$0x1200] =	vst v63  }
0x17b: {  	s19 =	sadd.s32 $0x1000, s19;
	s23 =	sand.u32 $0xFFFFF000, s26;
	s24 =	sadd.s32 $0x3C0, s14  }
0x17c: {  	[hbm4b:s24+s3] =	stream.linear.scatter [tilespmem:s19], [sflag:$0x1], $0x80, $0x38;
	[tilespmem:$0x1200] =	vst v63  }
0x17d: {  	s26 =	sadd.s32 $0x50, s14;
	s25 =	sand.u32 $0x180, s22;
	s28 =	sor.u32 $0x200, s17  }
0x17e: {  	[hbm4b:s26+s3] =	stream.linear.scatter [tilespmem:s28], [sflag:$0x1], $0x80, $0x38;
	[tilespmem:$0x1200] =	vst v63  }
0x17f: {  	s20 =	sor.u32 s25, s23;
	s29 =	sor.u32 $0x400, s17;
	s30 =	sadd.s32 $0xD0, s14  }
0x180: {  	[hbm4b:s30+s3] =	stream.linear.scatter [tilespmem:s29], [sflag:$0x1], $0x80, $0x38;
	[tilespmem:$0x1200] =	vst v63  }
0x181: {  	s25 =	sadd.s32 $0x150, s14;
	s23 =	sadd.s32 $0x60, s14;
	s24 =	sor.u32 $0x600, s17  }
0x182: {  	[hbm4b:s25+s3] =	stream.linear.scatter [tilespmem:s24], [sflag:$0x1], $0x80, $0x38;
	[tilespmem:$0x1200] =	vst v63  }
0x183: {  	s31 =	spop (v2sf);
	s26 =	sor.u32 $0x800, s17;
	s28 =	sadd.s32 $0x1D0, s14  }
0x184: {  	(v2sf) =	vpush v0, $0xC;
	[hbm4b:s28+s3] =	stream.linear.scatter [tilespmem:s26], [sflag:$0x1], $0x80, $0x38;
	[tilespmem:$0x1200] =	vst v63  }
0x185: {  	s21 =	sshll.u32 s31, $0xA;
	s29 =	sor.u32 $0xA00, s17;
	s30 =	sadd.s32 $0x250, s14  }
0x186: {  	[hbm4b:s30+s3] =	stream.linear.scatter [tilespmem:s29], [sflag:$0x1], $0x80, $0x38;
	[tilespmem:$0x1200] =	vst v63  }
0x187: {  	s22 =	sshll.u32 s31, $0x7;
	s24 =	sor.u32 $0xC00, s17;
	s25 =	sadd.s32 $0x2D0, s14  }
0x188: {  	[hbm4b:s25+s3] =	stream.linear.scatter [tilespmem:s24], [sflag:$0x1], $0x80, $0x38;
	[tilespmem:$0x1200] =	vst v63  }
0x189: {  	s31 =	spop (v2sf);
	s28 =	sor.u32 $0xE00, s17;
	s29 =	sadd.s32 $0x350, s14  }
0x18a: {  	[hbm4b:s29+s3] =	stream.linear.scatter [tilespmem:s28], [sflag:$0x1], $0x80, $0x38;
	[tilespmem:$0x1200] =	vst v63  }
0x18b: {  	s19 =	sshll.u32 s31, $0x7;
	s17 =	sadd.s32 $0x1000, s17;
	s30 =	sadd.s32 $0x3D0, s14  }
0x18c: {  	[hbm4b:s30+s3] =	stream.linear.scatter [tilespmem:s17], [sflag:$0x1], $0x80, $0x38;
	[tilespmem:$0x1200] =	vst v63  }
0x18d: {  	s19 =	sand.u32 $0x180, s19;
	s26 =	sshll.u32 s31, $0xA;
	s25 =	sor.u32 $0x200, s18  }
0x18e: {  	[hbm4b:s23+s3] =	stream.linear.scatter [tilespmem:s25], [sflag:$0x1], $0x80, $0x38;
	[tilespmem:$0x1200] =	vst v63  }
0x18f: {  	s31 =	sand.u32 $0xFFFFF000, s26;
	s26 =	sor.u32 $0x400, s18;
	s28 =	sadd.s32 $0xE0, s14  }
0x190: {  	(v2sf) =	vpush v0, $0xD;
	[hbm4b:s28+s3] =	stream.linear.scatter [tilespmem:s26], [sflag:$0x1], $0x80, $0x38;
	[tilespmem:$0x1200] =	vst v63  }
0x191: {  	s19 =	sor.u32 s19, s31;
	s29 =	sor.u32 $0x600, s18;
	s30 =	sadd.s32 $0x160, s14  }
0x192: {  	[hbm4b:s30+s3] =	stream.linear.scatter [tilespmem:s29], [sflag:$0x1], $0x80, $0x38;
	[tilespmem:$0x1200] =	vst v63  }
0x193: {  	s31 =	spop (v2sf);
	s23 =	sor.u32 $0x800, s18;
	s26 =	sadd.s32 $0x1E0, s14  }
0x194: {  	[hbm4b:s26+s3] =	stream.linear.scatter [tilespmem:s23], [sflag:$0x1], $0x80, $0x38;
	[tilespmem:$0x1200] =	vst v63  }
0x195: {  	s24 =	sshll.u32 s31, $0x7;
	s28 =	sor.u32 $0xA00, s18;
	s29 =	sadd.s32 $0x260, s14  }
0x196: {  	[hbm4b:s29+s3] =	stream.linear.scatter [tilespmem:s28], [sflag:$0x1], $0x80, $0x38;
	[tilespmem:$0x1200] =	vst v63  }
0x197: {  	s25 =	sshll.u32 s31, $0xA;
	s31 =	sadd.s32 $0x2E0, s14;
	s30 =	sor.u32 $0xC00, s18  }
0x198: {  	[hbm4b:s31+s3] =	stream.linear.scatter [tilespmem:s30], [sflag:$0x1], $0x80, $0x38;
	[tilespmem:$0x1200] =	vst v63  }
0x199: {  	s24 =	sand.u32 $0x180, s24;
	s23 =	sor.u32 $0xE00, s18;
	s26 =	sadd.s32 $0x360, s14  }
0x19a: {  	[hbm4b:s26+s3] =	stream.linear.scatter [tilespmem:s23], [sflag:$0x1], $0x80, $0x38;
	[tilespmem:$0x1200] =	vst v63  }
0x19b: {  	s25 =	sand.u32 $0xFFFFF000, s25;
	s28 =	sadd.s32 $0x1000, s18;
	s29 =	sadd.s32 $0x3E0, s14  }
0x19c: {  	(v2sf) =	vpush v0, $0xE;
	[hbm4b:s29+s3] =	stream.linear.scatter [tilespmem:s28], [sflag:$0x1], $0x80, $0x38;
	[tilespmem:$0x1200] =	vst v63  }
0x19d: {  	s18 =	sor.u32 s24, s25;
	s30 =	sadd.s32 $0x70, s14;
	s31 =	sor.u32 $0x200, s16  }
0x19e: {  	[hbm4b:s30+s3] =	stream.linear.scatter [tilespmem:s31], [sflag:$0x1], $0x80, $0x38;
	[tilespmem:$0x1200] =	vst v63  }
0x19f: {  	s24 =	spop (v2sf);
	s25 =	sadd.s32 $0xF0, s14;
	s23 =	sor.u32 $0x400, s16  }
0x1a0: {  	[hbm4b:s25+s3] =	stream.linear.scatter [tilespmem:s23], [sflag:$0x1], $0x80, $0x38;
	[tilespmem:$0x1200] =	vst v63  }
0x1a1: {  	s26 =	sshll.u32 s24, $0xA;
	s28 =	sor.u32 $0x600, s16;
	s29 =	sadd.s32 $0x170, s14  }
0x1a2: {  	[hbm4b:s29+s3] =	stream.linear.scatter [tilespmem:s28], [sflag:$0x1], $0x80, $0x38;
	[tilespmem:$0x1200] =	vst v63  }
0x1a3: {  	s24 =	sshll.u32 s24, $0x7;
	s30 =	sor.u32 $0x800, s16;
	s31 =	sadd.s32 $0x1F0, s14  }
0x1a4: {  	[hbm4b:s31+s3] =	stream.linear.scatter [tilespmem:s30], [sflag:$0x1], $0x80, $0x38;
	[tilespmem:$0x1200] =	vst v63  }
0x1a5: {  	s25 =	sand.u32 $0xFFFFF000, s26;
	s23 =	sor.u32 $0xA00, s16;
	s26 =	sadd.s32 $0x270, s14  }
0x1a6: {  	[hbm4b:s26+s3] =	stream.linear.scatter [tilespmem:s23], [sflag:$0x1], $0x80, $0x38;
	[tilespmem:$0x1200] =	vst v63  }
0x1a7: {  	s24 =	sand.u32 $0x180, s24;
	s28 =	sor.u32 $0xC00, s16;
	s26 =	sadd.s32 $0x2F0, s14  }
0x1a8: {  	(v2sf) =	vpush v0, $0xF;
	[hbm4b:s26+s3] =	stream.linear.scatter [tilespmem:s28], [sflag:$0x1], $0x80, $0x38;
	[tilespmem:$0x1200] =	vst v63  }
0x1a9: {  	s17 =	sor.u32 s24, s25;
	s29 =	sor.u32 $0xE00, s16;
	s30 =	sadd.s32 $0x370, s14  }
0x1aa: {  	[hbm4b:s30+s3] =	stream.linear.scatter [tilespmem:s29], [sflag:$0x1], $0x80, $0x38;
	[tilespmem:$0x1200] =	vst v63  }
0x1ab: {  	s24 =	sadd.s32 $0x3F0, s14;
	s16 =	sadd.s32 $0x1000, s16;
	s31 =	spop (v2sf)  }
0x1ac: {  	[hbm4b:s24+s3] =	stream.linear.scatter [tilespmem:s16], [sflag:$0x1], $0x80, $0x38;
	[tilespmem:$0x1200] =	vst v63  }
0x1ad: {  	s25 =	sshll.u32 s31, $0x7;
	s28 =	sadd.s32 $0x400, s14;
	s29 =	sor.u32 $0x200, s15  }
0x1ae: {  	[hbm4b:s28+s3] =	stream.linear.scatter [tilespmem:s29], [sflag:$0x1], $0x80, $0x38;
	[tilespmem:$0x1200] =	vst v63  }
0x1af: {  	s26 =	sshll.u32 s31, $0xA;
	s31 =	sadd.s32 $0x480, s14;
	s30 =	sor.u32 $0x400, s15  }
0x1b0: {  	[hbm4b:s31+s3] =	stream.linear.scatter [tilespmem:s30], [sflag:$0x1], $0x80, $0x38;
	[tilespmem:$0x1200] =	vst v63  }
0x1b1: {  	s23 =	sor.u32 $0x600, s15;
	s24 =	sand.u32 $0xFFFFF000, s26;
	s26 =	sadd.s32 $0x500, s14  }
0x1b2: {  	[hbm4b:s26+s3] =	stream.linear.scatter [tilespmem:s23], [sflag:$0x1], $0x80, $0x38;
	[tilespmem:$0x1200] =	vst v63  }
0x1b3: {  	s25 =	sand.u32 $0x180, s25;
	s28 =	sor.u32 $0x800, s15;
	s29 =	sadd.s32 $0x580, s14  }
0x1b4: {  	[hbm4b:s29+s3] =	stream.linear.scatter [tilespmem:s28], [sflag:$0x1], $0x80, $0x38;
	[tilespmem:$0x1200] =	vst v63  }
0x1b5: {  	s16 =	sor.u32 s25, s24;
	s30 =	sor.u32 $0xA00, s15;
	s31 =	sadd.s32 $0x600, s14  }
0x1b6: {  	[hbm4b:s31+s3] =	stream.linear.scatter [tilespmem:s30], [sflag:$0x1], $0x80, $0x38;
	[tilespmem:$0x1200] =	vst v63  }
0x1b7: {  	s25 =	spop (v2sf);
	s26 =	sor.u32 $0xC00, s15;
	s28 =	sadd.s32 $0x680, s14  }
0x1b8: {  	[hbm4b:s28+s3] =	stream.linear.scatter [tilespmem:s26], [sflag:$0x1], $0x80, $0x38;
	[tilespmem:$0x1200] =	vst v63  }
0x1b9: {  	s24 =	sadd.s32 $0x780, s14;
	s30 =	sor.u32 $0xE00, s15;
	s31 =	sadd.s32 $0x700, s14  }
0x1ba: {  	[hbm4b:s31+s3] =	stream.linear.scatter [tilespmem:s30], [sflag:$0x1], $0x80, $0x38;
	[tilespmem:$0x1200] =	vst v63  }
0x1bb: {  	s29 =	sshll.u32 s25, $0xA;
	s25 =	sshll.u32 s25, $0x7;
	s15 =	sadd.s32 $0x1000, s15  }
0x1bc: {  	[hbm4b:s24+s3] =	stream.linear.scatter [tilespmem:s15], [sflag:$0x1], $0x80, $0x38;
	[tilespmem:$0x1200] =	vst v63  }
0x1bd: {  	s26 =	sand.u32 $0xFFFFF000, s29;
	s28 =	sadd.s32 $0x410, s14;
	s29 =	sor.u32 $0x200, s20  }
0x1be: {  	[hbm4b:s28+s3] =	stream.linear.scatter [tilespmem:s29], [sflag:$0x1], $0x80, $0x38;
	[tilespmem:$0x1200] =	vst v63  }
0x1bf: {  	s25 =	sand.u32 $0x180, s25;
	s30 =	sor.u32 $0x400, s20;
	s31 =	sadd.s32 $0x490, s14  }
0x1c0: {  	[hbm4b:s31+s3] =	stream.linear.scatter [tilespmem:s30], [sflag:$0x1], $0x80, $0x38;
	[tilespmem:$0x1200] =	vst v63  }
0x1c1: {  	s15 =	sor.u32 s25, s26;
	s25 =	sor.u32 $0x600, s20;
	s26 =	sadd.s32 $0x510, s14  }
0x1c2: {  	[hbm4b:s26+s3] =	stream.linear.scatter [tilespmem:s25], [sflag:$0x1], $0x80, $0x38;
	[tilespmem:$0x1200] =	vst v63  }
0x1c3: {  	s28 =	sor.u32 $0x800, s20;
	s29 =	sadd.s32 $0x590, s14  }
0x1c4: {  	[hbm4b:s29+s3] =	stream.linear.scatter [tilespmem:s28], [sflag:$0x1], $0x80, $0x38;
	[tilespmem:$0x1200] =	vst v63  }
0x1c5: {  	s30 =	sor.u32 $0xA00, s20;
	s31 =	sadd.s32 $0x610, s14  }
0x1c6: {  	[hbm4b:s31+s3] =	stream.linear.scatter [tilespmem:s30], [sflag:$0x1], $0x80, $0x38;
	[tilespmem:$0x1200] =	vst v63  }
0x1c7: {  	s22 =	sand.u32 $0x180, s22;
	s25 =	sor.u32 $0xC00, s20;
	s26 =	sadd.s32 $0x690, s14  }
0x1c8: {  	[hbm4b:s26+s3] =	stream.linear.scatter [tilespmem:s25], [sflag:$0x1], $0x80, $0x38;
	[tilespmem:$0x1200] =	vst v63  }
0x1c9: {  	s21 =	sand.u32 $0xFFFFF000, s21;
	s28 =	sor.u32 $0xE00, s20;
	s29 =	sadd.s32 $0x710, s14  }
0x1ca: {  	[hbm4b:s29+s3] =	stream.linear.scatter [tilespmem:s28], [sflag:$0x1], $0x80, $0x38;
	[tilespmem:$0x1200] =	vst v63  }
0x1cb: {  	s21 =	sor.u32 s22, s21;
	s20 =	sadd.s32 $0x1000, s20;
	s30 =	sadd.s32 $0x790, s14  }
0x1cc: {  	[hbm4b:s30+s3] =	stream.linear.scatter [tilespmem:s20], [sflag:$0x1], $0x80, $0x38;
	[tilespmem:$0x1200] =	vst v63  }
0x1cd: {  	s24 =	sadd.s32 $0x420, s14;
	s31 =	sor.u32 $0x200, s21  }
0x1ce: {  	[hbm4b:s24+s3] =	stream.linear.scatter [tilespmem:s31], [sflag:$0x1], $0x80, $0x38;
	[tilespmem:$0x1200] =	vst v63  }
0x1cf: {  	s25 =	sor.u32 $0x400, s21;
	s26 =	sadd.s32 $0x4A0, s14  }
0x1d0: {  	[hbm4b:s26+s3] =	stream.linear.scatter [tilespmem:s25], [sflag:$0x1], $0x80, $0x38;
	[tilespmem:$0x1200] =	vst v63  }
0x1d1: {  	s28 =	sor.u32 $0x600, s21;
	s29 =	sadd.s32 $0x520, s14  }
0x1d2: {  	[hbm4b:s29+s3] =	stream.linear.scatter [tilespmem:s28], [sflag:$0x1], $0x80, $0x38;
	[tilespmem:$0x1200] =	vst v63  }
0x1d3: {  	s30 =	sor.u32 $0x800, s21;
	s31 =	sadd.s32 $0x5A0, s14  }
0x1d4: {  	[hbm4b:s31+s3] =	stream.linear.scatter [tilespmem:s30], [sflag:$0x1], $0x80, $0x38;
	[tilespmem:$0x1200] =	vst v63  }
0x1d5: {  	s25 =	sor.u32 $0xA00, s21;
	s26 =	sadd.s32 $0x620, s14  }
0x1d6: {  	[hbm4b:s26+s3] =	stream.linear.scatter [tilespmem:s25], [sflag:$0x1], $0x80, $0x38;
	[tilespmem:$0x1200] =	vst v63  }
0x1d7: {  	s28 =	sor.u32 $0xC00, s21;
	s29 =	sadd.s32 $0x6A0, s14  }
0x1d8: {  	[hbm4b:s29+s3] =	stream.linear.scatter [tilespmem:s28], [sflag:$0x1], $0x80, $0x38;
	[tilespmem:$0x1200] =	vst v63  }
0x1d9: {  	s30 =	sor.u32 $0xE00, s21;
	s31 =	sadd.s32 $0x720, s14  }
0x1da: {  	[hbm4b:s31+s3] =	stream.linear.scatter [tilespmem:s30], [sflag:$0x1], $0x80, $0x38;
	[tilespmem:$0x1200] =	vst v63  }
0x1db: {  	s24 =	sadd.s32 $0x7A0, s14;
	s21 =	sadd.s32 $0x1000, s21  }
0x1dc: {  	[hbm4b:s24+s3] =	stream.linear.scatter [tilespmem:s21], [sflag:$0x1], $0x80, $0x38;
	[tilespmem:$0x1200] =	vst v63  }
0x1dd: {  	s25 =	sadd.s32 $0x430, s14;
	s26 =	sor.u32 $0x200, s19  }
0x1de: {  	[hbm4b:s25+s3] =	stream.linear.scatter [tilespmem:s26], [sflag:$0x1], $0x80, $0x38;
	[tilespmem:$0x1200] =	vst v63  }
0x1df: {  	s28 =	sor.u32 $0x400, s19;
	s29 =	sadd.s32 $0x4B0, s14  }
0x1e0: {  	[hbm4b:s29+s3] =	stream.linear.scatter [tilespmem:s28], [sflag:$0x1], $0x80, $0x38;
	[tilespmem:$0x1200] =	vst v63  }
0x1e1: {  	s30 =	sor.u32 $0x600, s19;
	s31 =	sadd.s32 $0x530, s14  }
0x1e2: {  	[hbm4b:s31+s3] =	stream.linear.scatter [tilespmem:s30], [sflag:$0x1], $0x80, $0x38;
	[tilespmem:$0x1200] =	vst v63  }
0x1e3: {  	s22 =	sor.u32 $0x800, s19;
	s24 =	sadd.s32 $0x5B0, s14  }
0x1e4: {  	[hbm4b:s24+s3] =	stream.linear.scatter [tilespmem:s22], [sflag:$0x1], $0x80, $0x38;
	[tilespmem:$0x1200] =	vst v63  }
0x1e5: {  	s25 =	sor.u32 $0xA00, s19;
	s26 =	sadd.s32 $0x630, s14  }
0x1e6: {  	[hbm4b:s26+s3] =	stream.linear.scatter [tilespmem:s25], [sflag:$0x1], $0x80, $0x38;
	[tilespmem:$0x1200] =	vst v63  }
0x1e7: {  	s28 =	sor.u32 $0xC00, s19;
	s29 =	sadd.s32 $0x6B0, s14  }
0x1e8: {  	[hbm4b:s29+s3] =	stream.linear.scatter [tilespmem:s28], [sflag:$0x1], $0x80, $0x38;
	[tilespmem:$0x1200] =	vst v63  }
0x1e9: {  	s30 =	sor.u32 $0xE00, s19;
	s31 =	sadd.s32 $0x730, s14  }
0x1ea: {  	[hbm4b:s31+s3] =	stream.linear.scatter [tilespmem:s30], [sflag:$0x1], $0x80, $0x38;
	[tilespmem:$0x1200] =	vst v63  }
0x1eb: {  	s19 =	sadd.s32 $0x1000, s19;
	s22 =	sadd.s32 $0x7B0, s14  }
0x1ec: {  	[hbm4b:s22+s3] =	stream.linear.scatter [tilespmem:s19], [sflag:$0x1], $0x80, $0x38;
	[tilespmem:$0x1200] =	vst v63  }
0x1ed: {  	s23 =	sadd.s32 $0x440, s14;
	s24 =	sor.u32 $0x200, s18  }
0x1ee: {  	[hbm4b:s23+s3] =	stream.linear.scatter [tilespmem:s24], [sflag:$0x1], $0x80, $0x38;
	[tilespmem:$0x1200] =	vst v63  }
0x1ef: {  	s25 =	sor.u32 $0x400, s18;
	s26 =	sadd.s32 $0x4C0, s14  }
0x1f0: {  	[hbm4b:s26+s3] =	stream.linear.scatter [tilespmem:s25], [sflag:$0x1], $0x80, $0x38;
	[tilespmem:$0x1200] =	vst v63  }
0x1f1: {  	s28 =	sor.u32 $0x600, s18;
	s29 =	sadd.s32 $0x540, s14  }
0x1f2: {  	[hbm4b:s29+s3] =	stream.linear.scatter [tilespmem:s28], [sflag:$0x1], $0x80, $0x38;
	[tilespmem:$0x1200] =	vst v63  }
0x1f3: {  	s30 =	sor.u32 $0x800, s18;
	s31 =	sadd.s32 $0x5C0, s14  }
0x1f4: {  	[hbm4b:s31+s3] =	stream.linear.scatter [tilespmem:s30], [sflag:$0x1], $0x80, $0x38;
	[tilespmem:$0x1200] =	vst v63  }
0x1f5: {  	s22 =	sor.u32 $0xA00, s18;
	s23 =	sadd.s32 $0x640, s14  }
0x1f6: {  	[hbm4b:s23+s3] =	stream.linear.scatter [tilespmem:s22], [sflag:$0x1], $0x80, $0x38;
	[tilespmem:$0x1200] =	vst v63  }
0x1f7: {  	s24 =	sor.u32 $0xC00, s18;
	s25 =	sadd.s32 $0x6C0, s14  }
0x1f8: {  	[hbm4b:s25+s3] =	stream.linear.scatter [tilespmem:s24], [sflag:$0x1], $0x80, $0x38;
	[tilespmem:$0x1200] =	vst v63  }
0x1f9: {  	s26 =	sor.u32 $0xE00, s18;
	s28 =	sadd.s32 $0x740, s14  }
0x1fa: {  	[hbm4b:s28+s3] =	stream.linear.scatter [tilespmem:s26], [sflag:$0x1], $0x80, $0x38;
	[tilespmem:$0x1200] =	vst v63  }
0x1fb: {  	s18 =	sadd.s32 $0x1000, s18;
	s29 =	sadd.s32 $0x7C0, s14  }
0x1fc: {  	[hbm4b:s29+s3] =	stream.linear.scatter [tilespmem:s18], [sflag:$0x1], $0x80, $0x38;
	[tilespmem:$0x1200] =	vst v63  }
0x1fd: {  	s30 =	sadd.s32 $0x450, s14;
	s31 =	sor.u32 $0x200, s17  }
0x1fe: {  	[hbm4b:s30+s3] =	stream.linear.scatter [tilespmem:s31], [sflag:$0x1], $0x80, $0x38;
	[tilespmem:$0x1200] =	vst v63  }
0x1ff: {  	s19 =	sor.u32 $0x400, s17;
	s22 =	sadd.s32 $0x4D0, s14  }
0x200: {  	[hbm4b:s22+s3] =	stream.linear.scatter [tilespmem:s19], [sflag:$0x1], $0x80, $0x38;
	[tilespmem:$0x1200] =	vst v63  }
0x201: {  	s23 =	sor.u32 $0x600, s17;
	s24 =	sadd.s32 $0x550, s14  }
0x202: {  	[hbm4b:s24+s3] =	stream.linear.scatter [tilespmem:s23], [sflag:$0x1], $0x80, $0x38;
	[tilespmem:$0x1200] =	vst v63  }
0x203: {  	s25 =	sor.u32 $0x800, s17;
	s26 =	sadd.s32 $0x5D0, s14  }
0x204: {  	[hbm4b:s26+s3] =	stream.linear.scatter [tilespmem:s25], [sflag:$0x1], $0x80, $0x38;
	[tilespmem:$0x1200] =	vst v63  }
0x205: {  	s28 =	sor.u32 $0xA00, s17;
	s29 =	sadd.s32 $0x650, s14  }
0x206: {  	[hbm4b:s29+s3] =	stream.linear.scatter [tilespmem:s28], [sflag:$0x1], $0x80, $0x38;
	[tilespmem:$0x1200] =	vst v63  }
0x207: {  	s30 =	sor.u32 $0xC00, s17;
	s31 =	sadd.s32 $0x6D0, s14  }
0x208: {  	[hbm4b:s31+s3] =	stream.linear.scatter [tilespmem:s30], [sflag:$0x1], $0x80, $0x38;
	[tilespmem:$0x1200] =	vst v63  }
0x209: {  	s22 =	sor.u32 $0xE00, s17;
	s23 =	sadd.s32 $0x750, s14  }
0x20a: {  	[hbm4b:s23+s3] =	stream.linear.scatter [tilespmem:s22], [sflag:$0x1], $0x80, $0x38;
	[tilespmem:$0x1200] =	vst v63  }
0x20b: {  	s17 =	sadd.s32 $0x1000, s17;
	s24 =	sadd.s32 $0x7D0, s14  }
0x20c: {  	[hbm4b:s24+s3] =	stream.linear.scatter [tilespmem:s17], [sflag:$0x1], $0x80, $0x38;
	[tilespmem:$0x1200] =	vst v63  }
0x20d: {  	s25 =	sadd.s32 $0x460, s14;
	s26 =	sor.u32 $0x200, s16  }
0x20e: {  	[hbm4b:s25+s3] =	stream.linear.scatter [tilespmem:s26], [sflag:$0x1], $0x80, $0x38;
	[tilespmem:$0x1200] =	vst v63  }
0x20f: {  	s28 =	sor.u32 $0x400, s16;
	s29 =	sadd.s32 $0x4E0, s14  }
0x210: {  	[hbm4b:s29+s3] =	stream.linear.scatter [tilespmem:s28], [sflag:$0x1], $0x80, $0x38;
	[tilespmem:$0x1200] =	vst v63  }
0x211: {  	s30 =	sor.u32 $0x600, s16;
	s31 =	sadd.s32 $0x560, s14  }
0x212: {  	[hbm4b:s31+s3] =	stream.linear.scatter [tilespmem:s30], [sflag:$0x1], $0x80, $0x38;
	[tilespmem:$0x1200] =	vst v63  }
0x213: {  	s21 =	sadd.s32 $0x5E0, s14;
	s18 =	sor.u32 $0x800, s16  }
0x214: {  	[hbm4b:s21+s3] =	stream.linear.scatter [tilespmem:s18], [sflag:$0x1], $0x80, $0x38;
	[tilespmem:$0x1200] =	vst v63  }
0x215: {  	s22 =	sor.u32 $0xA00, s16;
	s23 =	sadd.s32 $0x660, s14  }
0x216: {  	[hbm4b:s23+s3] =	stream.linear.scatter [tilespmem:s22], [sflag:$0x1], $0x80, $0x38;
	[tilespmem:$0x1200] =	vst v63  }
0x217: {  	s24 =	sor.u32 $0xC00, s16;
	s25 =	sadd.s32 $0x6E0, s14  }
0x218: {  	[hbm4b:s25+s3] =	stream.linear.scatter [tilespmem:s24], [sflag:$0x1], $0x80, $0x38;
	[tilespmem:$0x1200] =	vst v63  }
0x219: {  	s26 =	sor.u32 $0xE00, s16;
	s28 =	sadd.s32 $0x760, s14  }
0x21a: {  	[hbm4b:s28+s3] =	stream.linear.scatter [tilespmem:s26], [sflag:$0x1], $0x80, $0x38;
	[tilespmem:$0x1200] =	vst v63  }
0x21b: {  	s16 =	sadd.s32 $0x1000, s16;
	s29 =	sadd.s32 $0x7E0, s14  }
0x21c: {  	[hbm4b:s29+s3] =	stream.linear.scatter [tilespmem:s16], [sflag:$0x1], $0x80, $0x38;
	[tilespmem:$0x1200] =	vst v63  }
0x21d: {  	s30 =	sadd.s32 $0x470, s14;
	s31 =	sor.u32 $0x200, s15  }
0x21e: {  	[hbm4b:s30+s3] =	stream.linear.scatter [tilespmem:s31], [sflag:$0x1], $0x80, $0x38;
	[tilespmem:$0x1200] =	vst v63  }
0x21f: {  	s20 =	sadd.s32 $0x4F0, s14;
	s17 =	sor.u32 $0x400, s15  }
0x220: {  	[hbm4b:s20+s3] =	stream.linear.scatter [tilespmem:s17], [sflag:$0x1], $0x80, $0x38;
	[tilespmem:$0x1200] =	vst v63  }
0x221: {  	s13 =	sadd.s32 $0x1, s13;
	s21 =	sor.u32 $0x600, s15;
	s22 =	sadd.s32 $0x570, s14  }
0x222: {  	[hbm4b:s22+s3] =	stream.linear.scatter [tilespmem:s21], [sflag:$0x1], $0x80, $0x38;
	[tilespmem:$0x1200] =	vst v63  }
0x223: {  	s11 =	sadd.s32 $0x800, s11;
	s23 =	sor.u32 $0x800, s15;
	s24 =	sadd.s32 $0x5F0, s14  }
0x224: {  	[hbm4b:s24+s3] =	stream.linear.scatter [tilespmem:s23], [sflag:$0x1], $0x80, $0x38;
	[tilespmem:$0x1200] =	vst v63  }
0x225: {  	p0 =	sne.s32 s11, $0x10000;
	s25 =	sor.u32 $0xA00, s15;
	s26 =	sadd.s32 $0x670, s14  }
0x226: {  	[hbm4b:s26+s3] =	stream.linear.scatter [tilespmem:s25], [sflag:$0x1], $0x80, $0x38;
	[tilespmem:$0x1200] =	vst v63  }
.Ltmp0:
0x227: {  	p1 =	slt.u32 s13, $0x10;
	s12 =	sadd.s32 $0x10, s12;
	(pc) =	sbr.rel @p0 .LBB2_2-.Ltmp0, $4  }
0x228: {  	s28 =	sor.u32 $0xC00, s15;
	s29 =	sadd.s32 $0x6F0, s14;
	s30 =	sor.u32 $0xE00, s15  }
0x229: {  	[hbm4b:s29+s3] =	stream.linear.scatter [tilespmem:s28], [sflag:$0x1], $0x80, $0x38;
	[tilespmem:$0x1200] =	vst v63  }
0x22a: {  	s31 =	sadd.s32 $0x770, s14;
	s15 =	sadd.s32 $0x1000, s15;
	s14 =	sadd.s32 $0x7F0, s14  }
0x22b: {  	[hbm4b:s31+s3] =	stream.linear.scatter [tilespmem:s30], [sflag:$0x1], $0x80, $0x38;
	[tilespmem:$0x1200] =	vst v63  }
0x22c: {  	s11 =	simm.s32 @!p1 $0x1  }
0x22d: {  	[hbm4b:s14+s3] =	stream.linear.scatter [tilespmem:s15], [sflag:$0x1], $0x80, $0x38;
	[tilespmem:$0x1200] =	vst v63  }
0x22e: {  	_ =	swait.ge @!p1 [sflag:s11], $0x800  }
0x22f: {  	[sflag:s11] =	ssyncset.done @!p1 $0x0  }
0x230: {  	[sflag:s11] =	ssyncadd.s32 @!p1 $0xFFFFF800  }
0x231: {  	_ =	swait.ge [sflag:s9], $0x800  }
0x232: {  	[sflag:s9] =	ssyncset.done $0x0  }
0x233: {  	[sflag:s9] =	ssyncadd.s32 $0xFFFFF800  }
0x234: {  	_ =	swait.ge [sflag:s9], $0x800  }
0x235: {  	[sflag:s9] =	ssyncset.done $0x0  }
0x236: {  	[sflag:s9] =	ssyncadd.s32 $0xFFFFF800  }
0x237: {  	_ =	swait.ge [sflag:s9], $0x800  }
0x238: {  	[sflag:s9] =	ssyncset.done $0x0  }
0x239: {  	[sflag:s9] =	ssyncadd.s32 $0xFFFFF800  }
0x23a: {  	_ =	swait.ge [sflag:s9], $0x800  }
0x23b: {  	[sflag:s9] =	ssyncset.done $0x0  }
0x23c: {  	[sflag:s9] =	ssyncadd.s32 $0xFFFFF800  }
0x23d: {  	_ =	swait.ge [sflag:s9], $0x800  }
0x23e: {  	[sflag:s9] =	ssyncset.done $0x0  }
0x23f: {  	[sflag:s9] =	ssyncadd.s32 $0xFFFFF800  }
0x240: {  	_ =	swait.ge [sflag:s9], $0x800  }
0x241: {  	[sflag:s9] =	ssyncset.done $0x0  }
0x242: {  	[sflag:s9] =	ssyncadd.s32 $0xFFFFF800  }
0x243: {  	_ =	swait.ge [sflag:s9], $0x800  }
0x244: {  	[sflag:s9] =	ssyncset.done $0x0  }
0x245: {  	[sflag:s9] =	ssyncadd.s32 $0xFFFFF800  }
0x246: {  	_ =	swait.ge [sflag:s9], $0x800  }
0x247: {  	[sflag:s9] =	ssyncset.done $0x0  }
0x248: {  	[sflag:s9] =	ssyncadd.s32 $0xFFFFF800  }
0x249: {  	_ =	swait.ge [sflag:s9], $0x800  }
0x24a: {  	[sflag:s9] =	ssyncset.done $0x0  }
0x24b: {  	[sflag:s9] =	ssyncadd.s32 $0xFFFFF800  }
0x24c: {  	_ =	swait.ge [sflag:s9], $0x800  }
0x24d: {  	[sflag:s9] =	ssyncset.done $0x0  }
0x24e: {  	[sflag:s9] =	ssyncadd.s32 $0xFFFFF800  }
0x24f: {  	_ =	swait.ge [sflag:s9], $0x800  }
0x250: {  	[sflag:s9] =	ssyncset.done $0x0  }
0x251: {  	[sflag:s9] =	ssyncadd.s32 $0xFFFFF800  }
0x252: {  	_ =	swait.ge [sflag:s9], $0x800  }
0x253: {  	[sflag:s9] =	ssyncset.done $0x0  }
0x254: {  	[sflag:s9] =	ssyncadd.s32 $0xFFFFF800  }
0x255: {  	_ =	swait.ge [sflag:s9], $0x800  }
0x256: {  	[sflag:s9] =	ssyncset.done $0x0  }
0x257: {  	[sflag:s9] =	ssyncadd.s32 $0xFFFFF800  }
0x258: {  	_ =	swait.ge [sflag:s9], $0x800  }
0x259: {  	[sflag:s9] =	ssyncset.done $0x0  }
0x25a: {  	s10 =	sadd.s32 $0x1, s10;
	[sflag:s9] =	ssyncadd.s32 $0xFFFFF800  }
0x25b: {  	p0 =	sne.s32 s10, s5;
	_ =	swait.ge [sflag:s9], $0x800  }
.Ltmp1:
0x25c: {  	[sflag:s9] =	ssyncset.done $0x0;
	(pc) =	sbr.rel @p0 .LBB2_1-.Ltmp1, $4  }
0x25d: {  	[sflag:s9] =	ssyncadd.s32 $0xFFFFF800  }
0x25e: {  	_ =	swait.ge [sflag:s9], $0x800  }
0x25f: {  	[sflag:s9] =	ssyncset.done $0x0  }
0x260: {  	[sflag:s9] =	ssyncadd.s32 $0xFFFFF800  }
0x261: {  	_ =	sfence.sel $0x180000  }
0x262: {  	[bflag:$0x0] =	sbarrier.arrive $0xFFFF  }
0x263: {  	p0 =	sne.s32 s2, $0x0;
	_ =	strace $0x90000047  }
0x264: {  	s0 =	sadd.s32 @!p0 $0x100000, s0;
	[bflag:$0x2] =	sbarrier.arrive $0xFFFF  }
0x265: {  	[sflag:s0] =	ssyncadd.tile.s32 @!p0 $0x1;
	_ =	shalt  }
.Lfunc_end2:
_tile_overlayer_lowered:
.L_overlay_start_2:
0x266: {  	(tag) =	ssettag $0x2  }
0x267: {  	s0 =	rddreg [dreg:$0x0];
	s2 =	stileid.u32  }
0x268: {  	s1 =	rddreg [dreg:$0x1];
	p0 =	sne.s32 s2, $0x0  }
0x269: {  	s3 =	rddreg [dreg:$0x2];
	[bflag:$0x3] =	sbarrier.arrive $0xFFFF;
	s2 =	simm.s32 @!p0 $0x1C03  }
0x26a: {  	[timem:s3], [sflag:s2] =	dma.local @!p0 [hbm:s0], s1  }
0x26b: {  	s0 =	simm.s32 @!p0 $0x3  }
0x26c: {  	_ =	swait.ge @!p0 [sflag:s0], s1  }
0x26d: {  	s1 =	ssub.s32 @!p0 $0x0, s1;
	[sflag:s0] =	ssyncset.done @!p0 $0x0  }
0x26e: {  	[sflag:s0] =	ssyncadd.s32 @!p0 s1  }
0x26f: {  	[bflag:$0x3] =	sbarrier.arrive $0xFFFF  }
0x270: {  	_ =	shalt  }

</sc_bundles>
